<compile_context>
chip_gen: v7x
topology: tpu7x:2x2x1
jax: 0.10.2.dev20260603
libtpu: 0.0.44.dev20260713+nightly
codegen_flags: <defaults>
</compile_context>

<pallas_src>
import functools

import jax
import jax.numpy as jnp
import numpy as np
from jax import lax
from jax.experimental import pallas as pl

EPS = 1e-4
K = 16
NS, NV = 100, 16
ES = 32
BLKD = 128
BLKE = BLKD * K



def _norm(x, axis=-1, keepdims=False):
    return jnp.sqrt(jnp.sum(x * x, axis=axis, keepdims=keepdims) + 1e-8)


def _normalize(x, axis=-1):
    return x / _norm(x, axis=axis, keepdims=True)


def _dihedrals(X):
    Xf = X.reshape(X.shape[0], -1, 3)
    dX = Xf[:, 1:] - Xf[:, :-1]
    U = _normalize(dX)
    u2, u1, u0 = U[:, :-2], U[:, 1:-1], U[:, 2:]
    n2 = _normalize(jnp.cross(u2, u1))
    n1 = _normalize(jnp.cross(u1, u0))
    cosD = jnp.clip(jnp.sum(n2 * n1, axis=-1), -1 + 1e-6, 1 - 1e-6)
    D = jnp.sign(jnp.sum(u2 * n1, axis=-1)) * jnp.arccos(cosD)
    D = jnp.pad(D, ((0, 0), (1, 2)))
    D = D.reshape(X.shape[0], -1, 3)
    return jnp.concatenate([jnp.cos(D), jnp.sin(D)], axis=-1)


def _orientations(Xca):
    f = _normalize(Xca[:, 1:] - Xca[:, :-1])
    b = _normalize(Xca[:, :-1] - Xca[:, 1:])
    f = jnp.pad(f, ((0, 0), (0, 1), (0, 0)))
    b = jnp.pad(b, ((0, 0), (1, 0), (0, 0)))
    return jnp.stack([f, b], axis=-2)


def _sidechains(X):
    n, ca, c = X[:, :, 0], X[:, :, 1], X[:, :, 2]
    u = _normalize(c - ca)
    v = _normalize(n - ca)
    bis = _normalize(u + v)
    perp = _normalize(jnp.cross(u, v))
    vec = -bis * (1.0 / np.sqrt(3.0)) - perp * np.sqrt(2.0 / 3.0)
    return vec[:, :, None, :]



def _sigmoid(z):
    e = jnp.exp(-jnp.abs(z))
    return jnp.where(z >= 0, 1.0 / (1.0 + e), e / (1.0 + e))


def _dot(a, b):
    return jnp.dot(a, b, preferred_element_type=jnp.float32)


def _gdot(onehot_bf16, x, terms=2):
    acc = None
    r = x
    for _ in range(terms):
        h = r.astype(jnp.bfloat16)
        p = jnp.dot(onehot_bf16, h, preferred_element_type=jnp.float32)
        acc = p if acc is None else acc + p
        r = r - h.astype(jnp.float32)
    return acc


def _gvp_cm(p, s, vx, vy, vz, act):
    Wh, Ws, bs, Wv, Wg, bg = p
    w = Wh[...]
    hx, hy, hz = _dot(vx, w), _dot(vy, w), _dot(vz, w)
    vn = jnp.sqrt(hx * hx + hy * hy + hz * hz + 1e-8)
    so = _dot(jnp.concatenate([s, vn], axis=-1), Ws[...]) + bs[...]
    wv = Wv[...]
    ux, uy, uz = _dot(hx, wv), _dot(hy, wv), _dot(hz, wv)
    gate = _sigmoid(_dot(so, Wg[...]) + bg[...])
    if act:
        so = jnp.maximum(so, 0.0)
    return so, ux * gate, uy * gate, uz * gate


def _ln_cm(s, vx, vy, vz):
    mu = jnp.mean(s, axis=-1, keepdims=True)
    var = jnp.mean((s - mu) * (s - mu), axis=-1, keepdims=True)
    s = (s - mu) / jnp.sqrt(var + EPS)
    vn2 = vx * vx + vy * vy + vz * vz
    inv = 1.0 / jnp.sqrt(jnp.mean(vn2, axis=-1, keepdims=True) + EPS)
    return s, vx * inv, vy * inv, vz * inv


def _onehot_of(idx_ref, L):
    idx = idx_ref[0, 0]
    cols = lax.broadcasted_iota(jnp.int32, (1, L), 1)
    return (idx == cols).astype(jnp.bfloat16)


def _expand(a):
    return jnp.broadcast_to(a[:, None, :],
                            (BLKD, K, a.shape[-1])).reshape(BLKE, a.shape[-1])



def _edge_kernel(L):
    def body(src_ref, xr_ref, pt_ref, Wh, Ws, bs, Wv, Wg, bg,
             se_out, ve_out):
        i = pl.program_id(1)
        off = i * BLKD
        onehot = _onehot_of(src_ref, L)

        g4 = _gdot(onehot, xr_ref[0], terms=3)
        xr_d = _expand(xr_ref[0, pl.ds(off, BLKD), :])
        gx, gr = g4[:, 0:3], g4[:, 3:4]
        xd, rd = xr_d[:, 0:3], xr_d[:, 3:4]

        dvec = gx - xd
        d2 = jnp.sum(dvec * dvec, axis=-1, keepdims=True)
        dist = jnp.sqrt(d2 + 1e-8)
        ve = dvec / jnp.sqrt(d2 + 1e-8)

        mu = (lax.broadcasted_iota(jnp.int32, (1, 16), 1).astype(jnp.float32)
              * np.float32(20.0 / 15.0))
        z = (dist - mu) * np.float32(16.0 / 20.0)
        rbf = jnp.exp(-(z * z))
        drel = jnp.clip(gr - rd, -32.0, 32.0).astype(jnp.int32) + 32
        tcols = lax.broadcasted_iota(jnp.int32, (1, 65), 1)
        oh65 = (drel == tcols).astype(jnp.bfloat16)
        pemb = _gdot(oh65, pt_ref[...], terms=2)
        s_e = jnp.concatenate([rbf, pemb], axis=-1)

        vex, vey, vez = ve[:, 0:1], ve[:, 1:2], ve[:, 2:3]
        w = Wh[...]
        hx, hy, hz = vex * w, vey * w, vez * w
        vn = jnp.sqrt(hx * hx + hy * hy + hz * hz + 1e-8)
        so = _dot(jnp.concatenate([s_e, vn], axis=-1), Ws[...]) + bs[...]
        wv = Wv[...]
        gate = _sigmoid(_dot(so, Wg[...]) + bg[...])
        ux, uy, uz = hx * wv * gate, hy * wv * gate, hz * wv * gate
        so = jnp.maximum(so, 0.0)
        so, ux, uy, uz = _ln_cm(so, ux, uy, uz)
        se_out[0] = so
        ve_out[0] = jnp.concatenate([ux, uy, uz], axis=-1)

    return body


def _pos_emb_table(num=16):
    d = jnp.arange(-32, 33, dtype=jnp.float32)
    freq = jnp.exp(jnp.arange(0, num, 2, dtype=jnp.float32)
                   * (-np.log(1000.0) / num))
    ang = d[:, None] * freq
    return jnp.concatenate([jnp.cos(ang), jnp.sin(ang)], axis=-1)


def _edge_features(XcaP, ridxP, srcP, ep):
    Bc, L, _ = XcaP.shape
    NBLK = L // BLKD
    xr = jnp.concatenate([XcaP, ridxP], axis=-1)
    ptab = _pos_emb_table()
    params = [ep["Wh"], ep["Ws"], ep["bs"].reshape(1, -1),
              ep["Wv"], ep["Wg"], ep["bg"].reshape(1, -1)]
    pspecs = [pl.BlockSpec(w.shape, lambda b, i: (0, 0)) for w in params]
    out = pl.pallas_call(
        _edge_kernel(L),
        grid=(Bc, NBLK),
        in_specs=[
            pl.BlockSpec((1, 1, BLKE, 1), lambda b, i: (b, i, 0, 0)),
            pl.BlockSpec((1, L, 4), lambda b, i: (b, 0, 0)),
            pl.BlockSpec(ptab.shape, lambda b, i: (0, 0)),
        ] + pspecs,
        out_specs=[
            pl.BlockSpec((1, BLKE, ES), lambda b, i: (b, i, 0)),
            pl.BlockSpec((1, BLKE, 3), lambda b, i: (b, i, 0)),
        ],
        out_shape=[
            jax.ShapeDtypeStruct((Bc, L * K, ES), jnp.float32),
            jax.ShapeDtypeStruct((Bc, L * K, 3), jnp.float32),
        ],
    )(srcP, xr, ptab, *params)
    return out[0], out[1]



def _node_kernel(BLKN):
    def body(s_ref, v_ref, Wh, Ws, bs, Wv, Wg, bg, out_ref):
        s = s_ref[0]
        vx, vy, vz = v_ref[0, 0], v_ref[0, 1], v_ref[0, 2]
        p = (Wh, Ws, bs, Wv, Wg, bg)
        so, ux, uy, uz = _gvp_cm(p, s, vx, vy, vz, True)
        so, ux, uy, uz = _ln_cm(so, ux, uy, uz)
        out_ref[0] = jnp.concatenate([so, ux, uy, uz], axis=-1)

    return body


def _node_embed(s_n, V_cm, npar):
    Bc, L, si = s_n.shape
    BLKN = min(512, L)
    NBLK = L // BLKN
    NF = NS + 3 * NV
    params = [npar["Wh"], npar["Ws"], npar["bs"].reshape(1, -1),
              npar["Wv"], npar["Wg"], npar["bg"].reshape(1, -1)]
    pspecs = [pl.BlockSpec(w.shape, lambda b, i: (0, 0)) for w in params]
    out = pl.pallas_call(
        _node_kernel(BLKN),
        grid=(Bc, NBLK),
        in_specs=[
            pl.BlockSpec((1, BLKN, si), lambda b, i: (b, i, 0)),
            pl.BlockSpec((1, 3, BLKN, 3), lambda b, i: (b, 0, i, 0)),
        ] + pspecs,
        out_specs=pl.BlockSpec((1, BLKN, NF), lambda b, i: (b, i, 0)),
        out_shape=jax.ShapeDtypeStruct((Bc, L, NF), jnp.float32),
    )(s_n, V_cm, *params)
    return out



def _conv_layer_kernel(L):
    NF = NS + 3 * NV

    def body(src_ref, nf_ref, se_ref, ve_ref, *refs):
        out_ref = refs[-1]
        prefs = refs[:-1]
        p = [prefs[6 * j:6 * j + 6] for j in range(5)]
        i = pl.program_id(1)
        off = i * BLKD

        onehot = _onehot_of(src_ref, L)

        g = _gdot(onehot, nf_ref[0], terms=2)
        nf_d = nf_ref[0, pl.ds(off, BLKD), :]
        ex = _expand(nf_d)

        se_b = se_ref[0]
        ve = ve_ref[0]
        ms = jnp.concatenate([ex[:, :NS], se_b, g[:, :NS]], axis=-1)
        c0, c1, c2, c3 = NS, NS + NV, NS + 2 * NV, NF
        mvx = jnp.concatenate([ex[:, c0:c1], ve[:, 0:1], g[:, c0:c1]], axis=-1)
        mvy = jnp.concatenate([ex[:, c1:c2], ve[:, 1:2], g[:, c1:c2]], axis=-1)
        mvz = jnp.concatenate([ex[:, c2:c3], ve[:, 2:3], g[:, c2:c3]], axis=-1)

        ms, mvx, mvy, mvz = _gvp_cm(p[0], ms, mvx, mvy, mvz, True)
        ms, mvx, mvy, mvz = _gvp_cm(p[1], ms, mvx, mvy, mvz, True)
        ms, mvx, mvy, mvz = _gvp_cm(p[2], ms, mvx, mvy, mvz, False)

        packed_m = jnp.concatenate([ms, mvx, mvy, mvz], axis=-1)
        aggp = jnp.sum(packed_m.reshape(BLKD, K, NF),
                       axis=1) * np.float32(1.0 / K)
        new = nf_d + aggp

        s1, vx1, vy1, vz1 = _ln_cm(new[:, :NS], new[:, c0:c1],
                                   new[:, c1:c2], new[:, c2:c3])
        hs, hvx, hvy, hvz = _gvp_cm(p[3], s1, vx1, vy1, vz1, True)
        hs, hvx, hvy, hvz = _gvp_cm(p[4], hs, hvx, hvy, hvz, False)
        s2, vx2, vy2, vz2 = _ln_cm(s1 + hs, vx1 + hvx, vy1 + hvy, vz1 + hvz)

        out_ref[0] = jnp.concatenate([s2, vx2, vy2, vz2], axis=-1)

    return body


def _conv_layer(nf, seP, veP, srcP, lp):
    Bc, L, NF = nf.shape
    NBLK = L // BLKD
    params = []
    for name in ("msg0", "msg1", "msg2", "ff0", "ff1"):
        g = lp[name]
        params += [g["Wh"], g["Ws"], g["bs"].reshape(1, -1),
                   g["Wv"], g["Wg"], g["bg"].reshape(1, -1)]
    pspecs = [pl.BlockSpec(w.shape, lambda b, i: (0, 0)) for w in params]
    out = pl.pallas_call(
        _conv_layer_kernel(L),
        grid=(Bc, NBLK),
        in_specs=[
            pl.BlockSpec((1, 1, BLKE, 1), lambda b, i: (b, i, 0, 0)),
            pl.BlockSpec((1, L, NF), lambda b, i: (b, 0, 0)),
            pl.BlockSpec((1, BLKE, ES), lambda b, i: (b, i, 0)),
            pl.BlockSpec((1, BLKE, 3), lambda b, i: (b, i, 0)),
        ] + pspecs,
        out_specs=pl.BlockSpec((1, BLKD, NF), lambda b, i: (b, i, 0)),
        out_shape=jax.ShapeDtypeStruct((Bc, L, NF), jnp.float32),
    )(srcP, nf, seP, veP, *params)
    return out



def kernel(coords, coord_mask, res_idx, padding_mask, confidence, params):
    Bc, L = coords.shape[0], coords.shape[1]
    Xca = coords[:, :, 1]

    D2 = jnp.sum((Xca[:, :, None] - Xca[:, None, :]) ** 2, axis=-1)
    pad = padding_mask.astype(jnp.float32)
    D2 = D2 + 1e8 * pad[:, None, :] + 1e8 * pad[:, :, None]
    _, nbr = lax.top_k(-D2, K)
    srcP = nbr.reshape(Bc, L // BLKD, BLKD * K, 1).astype(jnp.int32)

    ridxP = res_idx.astype(jnp.float32)[..., None]
    seP, veP = _edge_features(Xca, ridxP, srcP, params["edge_embed"])

    s_n = jnp.concatenate([_dihedrals(coords), confidence[..., None]], axis=-1)
    V_n = jnp.concatenate([_orientations(Xca), _sidechains(coords)], axis=-2)
    V_cm = V_n.reshape(Bc, L, 3, 3).transpose(0, 3, 1, 2)
    nf = _node_embed(s_n, V_cm, params["node_embed"])

    for lp in params["layers"]:
        nf = _conv_layer(nf, seP, veP, srcP, lp)

    s_out = nf[:, :, :NS]
    V_out = nf[:, :, NS:].reshape(Bc, L, 3, NV).transpose(0, 1, 3, 2)
    return s_out, V_out

# --- scband reference (transcript-rebuilt; emitter-appended) ---
"""Pipeline reference for scband-gvpencoder-33535104647885 (READ-ONLY COPY).

The authoritative reference and input builder live on the scoring server;
editing this copy changes nothing except your own understanding.
"""

import jax, jax.numpy as jnp
import numpy as np

B, L, K = 8, 1024, 16
NS, NV = 100, 16
ES, EV = 32, 1
NLAYERS = 4
EPS = 1e-4


def _norm(x, axis=-1, keepdims=False):
    return jnp.sqrt(jnp.sum(x * x, axis=axis, keepdims=keepdims) + 1e-8)


def _normalize(x, axis=-1):
    return x / _norm(x, axis=axis, keepdims=True)


def _gvp_params(key, si, vi, so, vo, scale=0.1):
    h = max(vi, vo)
    k = jax.random.split(key, 4)
    return {
        "Wh": jax.random.normal(k[0], (vi, h), dtype=jnp.float32) * scale,
        "Ws": jax.random.normal(k[1], (si + h, so), dtype=jnp.float32) * scale,
        "bs": jnp.zeros((so,), dtype=jnp.float32),
        "Wv": jax.random.normal(k[2], (h, vo), dtype=jnp.float32) * scale,
        "Wg": jax.random.normal(k[3], (so, vo), dtype=jnp.float32) * scale,
        "bg": jnp.zeros((vo,), dtype=jnp.float32),
    }


def _gvp(p, s, V, act=True):
    # s: [n, si], V: [n, vi, 3]
    Vh = jnp.einsum("nvc,vh->nhc", V, p["Wh"])
    vn = _norm(Vh, axis=-1)
    s_out = jnp.concatenate([s, vn], axis=-1) @ p["Ws"] + p["bs"]
    Vu = jnp.einsum("nhc,hu->nuc", Vh, p["Wv"])
    gate = jax.nn.sigmoid(s_out @ p["Wg"] + p["bg"])  # vector gate
    V_out = Vu * gate[..., None]
    if act:
        s_out = jax.nn.relu(s_out)
    return s_out, V_out


def _ln(s, V):
    mu = jnp.mean(s, axis=-1, keepdims=True)
    var = jnp.var(s, axis=-1, keepdims=True)
    s = (s - mu) / jnp.sqrt(var + EPS)
    vn2 = jnp.sum(V * V, axis=-1)
    rms = jnp.sqrt(jnp.mean(vn2, axis=-1, keepdims=True) + EPS)
    V = V / rms[..., None]
    return s, V


def _dihedrals(X):
    Xf = X.reshape(X.shape[0], -1, 3)
    dX = Xf[:, 1:] - Xf[:, :-1]
    U = _normalize(dX)
    u2, u1, u0 = U[:, :-2], U[:, 1:-1], U[:, 2:]
    n2 = _normalize(jnp.cross(u2, u1))
    n1 = _normalize(jnp.cross(u1, u0))
    cosD = jnp.clip(jnp.sum(n2 * n1, axis=-1), -1 + 1e-6, 1 - 1e-6)
    D = jnp.sign(jnp.sum(u2 * n1, axis=-1)) * jnp.arccos(cosD)
    D = jnp.pad(D, ((0, 0), (1, 2)))
    D = D.reshape(X.shape[0], -1, 3)
    return jnp.concatenate([jnp.cos(D), jnp.sin(D)], axis=-1)


def _orientations(Xca):
    f = _normalize(Xca[:, 1:] - Xca[:, :-1])
    b = _normalize(Xca[:, :-1] - Xca[:, 1:])
    f = jnp.pad(f, ((0, 0), (0, 1), (0, 0)))
    b = jnp.pad(b, ((0, 0), (1, 0), (0, 0)))
    return jnp.stack([f, b], axis=-2)


def _sidechains(X):
    n, ca, c = X[:, :, 0], X[:, :, 1], X[:, :, 2]
    u = _normalize(c - ca)
    v = _normalize(n - ca)
    bis = _normalize(u + v)
    perp = _normalize(jnp.cross(u, v))
    vec = -bis * (1.0 / np.sqrt(3.0)) - perp * np.sqrt(2.0 / 3.0)
    return vec[:, :, None, :]


def _rbf(d, n_bins=16, d_max=20.0):
    mu = jnp.linspace(0.0, d_max, n_bins)
    sigma = d_max / n_bins
    return jnp.exp(-(((d[..., None] - mu) / sigma) ** 2))


def _pos_emb(d_rel, num=16):
    freq = jnp.exp(jnp.arange(0, num, 2, dtype=jnp.float32) * (-np.log(1000.0) / num))
    ang = d_rel[..., None].astype(jnp.float32) * freq
    return jnp.concatenate([jnp.cos(ang), jnp.sin(ang)], axis=-1)


def _forward(coords, coord_mask, res_idx, padding_mask, confidence, params):
    Bc, Lc = coords.shape[0], coords.shape[1]
    N = Bc * Lc
    Xca = coords[:, :, 1]
    # kNN graph per sequence (mask padded residues)
    D2 = jnp.sum((Xca[:, :, None] - Xca[:, None, :]) ** 2, axis=-1)
    pad = padding_mask.astype(jnp.float32)
    D2 = D2 + 1e8 * pad[:, None, :] + 1e8 * pad[:, :, None]
    _, nbr = jax.lax.top_k(-D2, K)
    offs = (jnp.arange(Bc) * Lc)[:, None, None]
    src = (nbr + offs).reshape(-1)
    dst = jnp.repeat(jnp.arange(N), K)
    # node features: dihedrals + confidence scalars; orientation + sidechain vectors
    s_n = jnp.concatenate([_dihedrals(coords), confidence[..., None]], axis=-1).reshape(N, -1)
    V_n = jnp.concatenate([_orientations(Xca), _sidechains(coords)], axis=-2).reshape(N, 3, 3)
    # edge features: RBF(dist) + relative positional embedding; unit direction vector
    Xf = Xca.reshape(N, 3)
    dvec = Xf[src] - Xf[dst]
    dist = _norm(dvec)
    ridx = res_idx.reshape(N)
    drel = jnp.clip(ridx[src] - ridx[dst], -32, 32)
    s_e = jnp.concatenate([_rbf(dist), _pos_emb(drel)], axis=-1)
    V_e = _normalize(dvec)[:, None, :]
    # embedding GVPs + layernorm
    s, V = _gvp(params["node_embed"], s_n, V_n)
    s, V = _ln(s, V)
    se, Ve = _gvp(params["edge_embed"], s_e, V_e)
    se, Ve = _ln(se, Ve)
    # GVP conv layers (message = GVP^3 on (dst_node, edge, src_node); mean aggregate; residual + LN; FF GVP^2)
    for lp in params["layers"]:
        ms = jnp.concatenate([s[dst], se, s[src]], axis=-1)
        mV = jnp.concatenate([V[dst], Ve, V[src]], axis=-2)
        ms, mV = _gvp(lp["msg0"], ms, mV)
        ms, mV = _gvp(lp["msg1"], ms, mV)
        ms, mV = _gvp(lp["msg2"], ms, mV, act=False)
        agg_s = jax.ops.segment_sum(ms, dst, num_segments=N) / K
        agg_V = jax.ops.segment_sum(mV, dst, num_segments=N) / K
        s, V = _ln(s + agg_s, V + agg_V)
        hs, hV = _gvp(lp["ff0"], s, V)
        hs, hV = _gvp(lp["ff1"], hs, hV, act=False)
        s, V = _ln(s + hs, V + hV)
    # unflatten_graph
    return s.reshape(Bc, Lc, NS), V.reshape(Bc, Lc, NV, 3)


def setup_inputs(seed: int = 0):
    key = jax.random.key(seed)
    ks = jax.random.split(key, 2)
    coords = jax.random.normal(ks[0], (B, L, 3, 3), dtype=jnp.float32) * 3.0
    pk = jax.random.split(ks[1], 2 + 5 * NLAYERS)
    params = {
        "node_embed": _gvp_params(pk[0], 7, 3, NS, NV),
        "edge_embed": _gvp_params(pk[1], ES, EV, ES, EV),
        "layers": [],
    }
    i = 2
    for _ in range(NLAYERS):
        lp = {
            "msg0": _gvp_params(pk[i], 2 * NS + ES, 2 * NV + EV, NS, NV),
            "msg1": _gvp_params(pk[i + 1], NS, NV, NS, NV),
            "msg2": _gvp_params(pk[i + 2], NS, NV, NS, NV),
            "ff0": _gvp_params(pk[i + 3], NS, NV, 2 * NS, 2 * NV),
            "ff1": _gvp_params(pk[i + 4], 2 * NS, 2 * NV, NS, NV),
        }
        params["layers"].append(lp)
        i += 5
    return {
        "coords": coords,
        "coord_mask": jnp.ones((B, L), dtype=bool),
        "res_idx": jnp.tile(jnp.arange(L, dtype=jnp.int32), (B, 1)),
        "padding_mask": jnp.zeros((B, L), dtype=bool),
        "confidence": jnp.ones((B, L), dtype=jnp.float32),
        "params": params,
    }


def reference(coords, coord_mask, res_idx, padding_mask, confidence, params):
    return _forward(coords, coord_mask, res_idx, padding_mask, confidence, params)

if __name__ == "__main__":
    import jax
    _d = setup_inputs()
    print(jax.jit(kernel)(*tuple(_d.values())))

</pallas_src>

<mosaic_0001>
module attributes {stable_mosaic.version = 14 : i64} {
  func.func @body(%arg0: i32, %arg1: i32, %arg2: memref<1x512x7xf32, #tpu.memory_space<vmem>>, %arg3: memref<1x3x512x3xf32, #tpu.memory_space<vmem>>, %arg4: memref<3x16xf32, #tpu.memory_space<vmem>>, %arg5: memref<23x100xf32, #tpu.memory_space<vmem>>, %arg6: memref<1x100xf32, #tpu.memory_space<vmem>>, %arg7: memref<16x16xf32, #tpu.memory_space<vmem>>, %arg8: memref<100x16xf32, #tpu.memory_space<vmem>>, %arg9: memref<1x16xf32, #tpu.memory_space<vmem>>, %arg10: memref<1x512x148xf32, #tpu.memory_space<vmem>>) attributes {dimension_semantics = [#tpu.dimension_semantics<arbitrary>, #tpu.dimension_semantics<arbitrary>], iteration_bounds = array<i64: 8, 2>, scalar_prefetch = 0 : i64, scratch_operands = 0 : i64, tpu.core_type = #tpu.core_type<tc>, window_params = [{transform_indices = @transform_0, window_bounds = array<i64: 1, 512, 7>}, {transform_indices = @transform_1, window_bounds = array<i64: 1, 3, 512, 3>}, {pipeline_mode = #tpu.pipeline_mode<synchronous>, transform_indices = @transform_2, window_bounds = array<i64: 3, 16>}, {pipeline_mode = #tpu.pipeline_mode<synchronous>, transform_indices = @transform_3, window_bounds = array<i64: 23, 100>}, {pipeline_mode = #tpu.pipeline_mode<synchronous>, transform_indices = @transform_4, window_bounds = array<i64: 1, 100>}, {pipeline_mode = #tpu.pipeline_mode<synchronous>, transform_indices = @transform_5, window_bounds = array<i64: 16, 16>}, {pipeline_mode = #tpu.pipeline_mode<synchronous>, transform_indices = @transform_6, window_bounds = array<i64: 100, 16>}, {pipeline_mode = #tpu.pipeline_mode<synchronous>, transform_indices = @transform_7, window_bounds = array<i64: 1, 16>}, {transform_indices = @transform_8, window_bounds = array<i64: 1, 512, 148>}]} {
    %get3A = arith.constant 0 : index
    %get3A_0 = arith.constant 0 : index
    %get3A_1 = arith.constant 0 : index
    %get3A_2 = vector.load %arg2[%get3A, %get3A_0, %get3A_1] : memref<1x512x7xf32, #tpu.memory_space<vmem>>, vector<1x512x7xf32>
    %get3A_3 = vector.shape_cast %get3A_2 : vector<1x512x7xf32> to vector<512x7xf32>
    %get3A_4 = arith.constant 0 : index
    %get3A_5 = arith.constant 0 : index
    %get3A_6 = arith.constant 0 : index
    %get3A_7 = arith.constant 0 : index
    %get3A_8 = vector.load %arg3[%get3A_4, %get3A_5, %get3A_6, %get3A_7] : memref<1x3x512x3xf32, #tpu.memory_space<vmem>>, vector<1x1x512x3xf32>
    %get3A_9 = vector.shape_cast %get3A_8 : vector<1x1x512x3xf32> to vector<512x3xf32>
    %get3A_10 = arith.constant 0 : index
    %get3A_11 = arith.constant 1 : index
    %get3A_12 = arith.constant 0 : index
    %get3A_13 = arith.constant 0 : index
    %get3A_14 = vector.load %arg3[%get3A_10, %get3A_11, %get3A_12, %get3A_13] : memref<1x3x512x3xf32, #tpu.memory_space<vmem>>, vector<1x1x512x3xf32>
    %get3A_15 = vector.shape_cast %get3A_14 : vector<1x1x512x3xf32> to vector<512x3xf32>
    %get3A_16 = arith.constant 0 : index
    %get3A_17 = arith.constant 2 : index
    %get3A_18 = arith.constant 0 : index
    %get3A_19 = arith.constant 0 : index
    %get3A_20 = vector.load %arg3[%get3A_16, %get3A_17, %get3A_18, %get3A_19] : memref<1x3x512x3xf32, #tpu.memory_space<vmem>>, vector<1x1x512x3xf32>
    %get3A_21 = vector.shape_cast %get3A_20 : vector<1x1x512x3xf32> to vector<512x3xf32>
    %get3A_22 = arith.constant 0 : index
    %get3A_23 = arith.constant 0 : index
    %get3A_24 = vector.load %arg4[%get3A_22, %get3A_23] : memref<3x16xf32, #tpu.memory_space<vmem>>, vector<3x16xf32>
    %dot_general3A = arith.constant dense<0.000000e+00> : vector<512x16xf32>
    %dot_general3A_25 = tpu.matmul %get3A_9, %get3A_24, %dot_general3A {dimension_numbers = #tpu.dot_dimension_numbers<[1], [0], [0], [1], [0, 0, 1, 1], [], []>, transpose_lhs_hint = false} : vector<512x3xf32>, vector<3x16xf32>, vector<512x16xf32> -> vector<512x16xf32>
    %dot_general3A_26 = arith.constant dense<0.000000e+00> : vector<512x16xf32>
    %dot_general3A_27 = tpu.matmul %get3A_15, %get3A_24, %dot_general3A_26 {dimension_numbers = #tpu.dot_dimension_numbers<[1], [0], [0], [1], [0, 0, 1, 1], [], []>, transpose_lhs_hint = false} : vector<512x3xf32>, vector<3x16xf32>, vector<512x16xf32> -> vector<512x16xf32>
    %dot_general3A_28 = arith.constant dense<0.000000e+00> : vector<512x16xf32>
    %dot_general3A_29 = tpu.matmul %get3A_21, %get3A_24, %dot_general3A_28 {dimension_numbers = #tpu.dot_dimension_numbers<[1], [0], [0], [1], [0, 0, 1, 1], [], []>, transpose_lhs_hint = false} : vector<512x3xf32>, vector<3x16xf32>, vector<512x16xf32> -> vector<512x16xf32>
    %mul3A = arith.mulf %dot_general3A_25, %dot_general3A_25 : vector<512x16xf32>
    %mul3A_30 = arith.mulf %dot_general3A_27, %dot_general3A_27 : vector<512x16xf32>
    %add3A = arith.addf %mul3A, %mul3A_30 : vector<512x16xf32>
    %mul3A_31 = arith.mulf %dot_general3A_29, %dot_general3A_29 : vector<512x16xf32>
    %add3A_32 = arith.addf %add3A, %mul3A_31 : vector<512x16xf32>
    %add3A_33 = arith.constant 9.99999993E-9 : f32
    %add3A_34 = vector.broadcast %add3A_33 : f32 to vector<512x16xf32>
    %add3A_35 = arith.addf %add3A_32, %add3A_34 : vector<512x16xf32>
    %sqrt3A = math.sqrt %add3A_35 : vector<512x16xf32>
    %concatenate3A = tpu.concatenate %get3A_3, %sqrt3A in 1 : vector<512x7xf32>, vector<512x16xf32> -> vector<512x23xf32>
    %get3A_36 = arith.constant 0 : index
    %get3A_37 = arith.constant 0 : index
    %get3A_38 = vector.load %arg5[%get3A_36, %get3A_37] : memref<23x100xf32, #tpu.memory_space<vmem>>, vector<23x100xf32>
    %dot_general3A_39 = arith.constant dense<0.000000e+00> : vector<512x100xf32>
    %dot_general3A_40 = tpu.matmul %concatenate3A, %get3A_38, %dot_general3A_39 {dimension_numbers = #tpu.dot_dimension_numbers<[1], [0], [0], [1], [0, 0, 1, 1], [], []>, transpose_lhs_hint = false} : vector<512x23xf32>, vector<23x100xf32>, vector<512x100xf32> -> vector<512x100xf32>
    %get3A_41 = arith.constant 0 : index
    %get3A_42 = arith.constant 0 : index
    %get3A_43 = vector.load %arg6[%get3A_41, %get3A_42] : memref<1x100xf32, #tpu.memory_space<vmem>>, vector<1x100xf32>
    %add3A_44 = vector.broadcast %get3A_43 : vector<1x100xf32> to vector<512x100xf32>
    %add3A_45 = arith.addf %dot_general3A_40, %add3A_44 : vector<512x100xf32>
    %get3A_46 = arith.constant 0 : index
    %get3A_47 = arith.constant 0 : index
    %get3A_48 = vector.load %arg7[%get3A_46, %get3A_47] : memref<16x16xf32, #tpu.memory_space<vmem>>, vector<16x16xf32>
    %dot_general3A_49 = arith.constant dense<0.000000e+00> : vector<512x16xf32>
    %dot_general3A_50 = tpu.matmul %dot_general3A_25, %get3A_48, %dot_general3A_49 {dimension_numbers = #tpu.dot_dimension_numbers<[1], [0], [0], [1], [0, 0, 1, 1], [], []>, transpose_lhs_hint = false} : vector<512x16xf32>, vector<16x16xf32>, vector<512x16xf32> -> vector<512x16xf32>
    %dot_general3A_51 = arith.constant dense<0.000000e+00> : vector<512x16xf32>
    %dot_general3A_52 = tpu.matmul %dot_general3A_27, %get3A_48, %dot_general3A_51 {dimension_numbers = #tpu.dot_dimension_numbers<[1], [0], [0], [1], [0, 0, 1, 1], [], []>, transpose_lhs_hint = false} : vector<512x16xf32>, vector<16x16xf32>, vector<512x16xf32> -> vector<512x16xf32>
    %dot_general3A_53 = arith.constant dense<0.000000e+00> : vector<512x16xf32>
    %dot_general3A_54 = tpu.matmul %dot_general3A_29, %get3A_48, %dot_general3A_53 {dimension_numbers = #tpu.dot_dimension_numbers<[1], [0], [0], [1], [0, 0, 1, 1], [], []>, transpose_lhs_hint = false} : vector<512x16xf32>, vector<16x16xf32>, vector<512x16xf32> -> vector<512x16xf32>
    %get3A_55 = arith.constant 0 : index
    %get3A_56 = arith.constant 0 : index
    %get3A_57 = vector.load %arg8[%get3A_55, %get3A_56] : memref<100x16xf32, #tpu.memory_space<vmem>>, vector<100x16xf32>
    %dot_general3A_58 = arith.constant dense<0.000000e+00> : vector<512x16xf32>
    %dot_general3A_59 = tpu.matmul %add3A_45, %get3A_57, %dot_general3A_58 {dimension_numbers = #tpu.dot_dimension_numbers<[1], [0], [0], [1], [0, 0, 1, 1], [], []>, transpose_lhs_hint = false} : vector<512x100xf32>, vector<100x16xf32>, vector<512x16xf32> -> vector<512x16xf32>
    %get3A_60 = arith.constant 0 : index
    %get3A_61 = arith.constant 0 : index
    %get3A_62 = vector.load %arg9[%get3A_60, %get3A_61] : memref<1x16xf32, #tpu.memory_space<vmem>>, vector<1x16xf32>
    %add3A_63 = vector.broadcast %get3A_62 : vector<1x16xf32> to vector<512x16xf32>
    %add3A_64 = arith.addf %dot_general3A_59, %add3A_63 : vector<512x16xf32>
    %abs3A = math.absf %add3A_64 : vector<512x16xf32>
    %neg3A = arith.constant 0.000000e+00 : f32
    %neg3A_65 = vector.broadcast %neg3A : f32 to vector<512x16xf32>
    %neg3A_66 = arith.subf %neg3A_65, %abs3A : vector<512x16xf32>
    %exp3A = math.exp %neg3A_66 : vector<512x16xf32>
    %ge3A = arith.constant 0.000000e+00 : f32
    %ge3A_67 = vector.broadcast %ge3A : f32 to vector<512x16xf32>
    %ge3A_68 = arith.cmpf oge, %add3A_64, %ge3A_67 : vector<512x16xf32>
    %add3A_69 = arith.constant 1.000000e+00 : f32
    %add3A_70 = vector.broadcast %add3A_69 : f32 to vector<512x16xf32>
    %add3A_71 = arith.addf %add3A_70, %exp3A : vector<512x16xf32>
    %div3A = arith.constant 1.000000e+00 : f32
    %div3A_72 = vector.broadcast %div3A : f32 to vector<512x16xf32>
    %div3A_73 = arith.divf %div3A_72, %add3A_71 : vector<512x16xf32>
    %add3A_74 = arith.constant 1.000000e+00 : f32
    %add3A_75 = vector.broadcast %add3A_74 : f32 to vector<512x16xf32>
    %add3A_76 = arith.addf %add3A_75, %exp3A : vector<512x16xf32>
    %div3A_77 = arith.divf %exp3A, %add3A_76 : vector<512x16xf32>
    %select_n3A = arith.select %ge3A_68, %div3A_73, %div3A_77 : vector<512x16xi1>, vector<512x16xf32>
    %max3A = arith.constant 0.000000e+00 : f32
    %max3A_78 = vector.broadcast %max3A : f32 to vector<512x100xf32>
    %max3A_79 = arith.maximumf %add3A_45, %max3A_78 : vector<512x100xf32>
    %mul3A_80 = arith.mulf %dot_general3A_50, %select_n3A : vector<512x16xf32>
    %mul3A_81 = arith.mulf %dot_general3A_52, %select_n3A : vector<512x16xf32>
    %mul3A_82 = arith.mulf %dot_general3A_54, %select_n3A : vector<512x16xf32>
    %reduce_sum3A = arith.constant dense<0.000000e+00> : vector<512xf32>
    %reduce_sum3A_83 = vector.multi_reduction <add>, %max3A_79, %reduce_sum3A [1] : vector<512x100xf32> to vector<512xf32>
    %broadcast_in_dim3A = vector.shape_cast %reduce_sum3A_83 : vector<512xf32> to vector<512x1xf32>
    %div3A_84 = arith.constant 1.000000e+02 : f32
    %div3A_85 = vector.broadcast %div3A_84 : f32 to vector<512x1xf32>
    %div3A_86 = arith.divf %broadcast_in_dim3A, %div3A_85 : vector<512x1xf32>
    %sub3A = vector.broadcast %div3A_86 : vector<512x1xf32> to vector<512x100xf32>
    %sub3A_87 = arith.subf %max3A_79, %sub3A : vector<512x100xf32>
    %sub3A_88 = vector.broadcast %div3A_86 : vector<512x1xf32> to vector<512x100xf32>
    %sub3A_89 = arith.subf %max3A_79, %sub3A_88 : vector<512x100xf32>
    %mul3A_90 = arith.mulf %sub3A_87, %sub3A_89 : vector<512x100xf32>
    %reduce_sum3A_91 = arith.constant dense<0.000000e+00> : vector<512xf32>
    %reduce_sum3A_92 = vector.multi_reduction <add>, %mul3A_90, %reduce_sum3A_91 [1] : vector<512x100xf32> to vector<512xf32>
    %broadcast_in_dim3A_93 = vector.shape_cast %reduce_sum3A_92 : vector<512xf32> to vector<512x1xf32>
    %div3A_94 = arith.constant 1.000000e+02 : f32
    %div3A_95 = vector.broadcast %div3A_94 : f32 to vector<512x1xf32>
    %div3A_96 = arith.divf %broadcast_in_dim3A_93, %div3A_95 : vector<512x1xf32>
    %sub3A_97 = vector.broadcast %div3A_86 : vector<512x1xf32> to vector<512x100xf32>
    %sub3A_98 = arith.subf %max3A_79, %sub3A_97 : vector<512x100xf32>
    %add3A_99 = arith.constant 9.99999974E-5 : f32
    %add3A_100 = vector.broadcast %add3A_99 : f32 to vector<512x1xf32>
    %add3A_101 = arith.addf %div3A_96, %add3A_100 : vector<512x1xf32>
    %sqrt3A_102 = math.sqrt %add3A_101 : vector<512x1xf32>
    %div3A_103 = vector.broadcast %sqrt3A_102 : vector<512x1xf32> to vector<512x100xf32>
    %div3A_104 = arith.divf %sub3A_98, %div3A_103 : vector<512x100xf32>
    %mul3A_105 = arith.mulf %mul3A_80, %mul3A_80 : vector<512x16xf32>
    %mul3A_106 = arith.mulf %mul3A_81, %mul3A_81 : vector<512x16xf32>
    %add3A_107 = arith.addf %mul3A_105, %mul3A_106 : vector<512x16xf32>
    %mul3A_108 = arith.mulf %mul3A_82, %mul3A_82 : vector<512x16xf32>
    %add3A_109 = arith.addf %add3A_107, %mul3A_108 : vector<512x16xf32>
    %reduce_sum3A_110 = arith.constant dense<0.000000e+00> : vector<512xf32>
    %reduce_sum3A_111 = vector.multi_reduction <add>, %add3A_109, %reduce_sum3A_110 [1] : vector<512x16xf32> to vector<512xf32>
    %broadcast_in_dim3A_112 = vector.shape_cast %reduce_sum3A_111 : vector<512xf32> to vector<512x1xf32>
    %div3A_113 = arith.constant 1.600000e+01 : f32
    %div3A_114 = vector.broadcast %div3A_113 : f32 to vector<512x1xf32>
    %div3A_115 = arith.divf %broadcast_in_dim3A_112, %div3A_114 : vector<512x1xf32>
    %add3A_116 = arith.constant 9.99999974E-5 : f32
    %add3A_117 = vector.broadcast %add3A_116 : f32 to vector<512x1xf32>
    %add3A_118 = arith.addf %div3A_115, %add3A_117 : vector<512x1xf32>
    %sqrt3A_119 = math.sqrt %add3A_118 : vector<512x1xf32>
    %div3A_120 = arith.constant 1.000000e+00 : f32
    %div3A_121 = vector.broadcast %div3A_120 : f32 to vector<512x1xf32>
    %div3A_122 = arith.divf %div3A_121, %sqrt3A_119 : vector<512x1xf32>
    %mul3A_123 = vector.broadcast %div3A_122 : vector<512x1xf32> to vector<512x16xf32>
    %mul3A_124 = arith.mulf %mul3A_80, %mul3A_123 : vector<512x16xf32>
    %mul3A_125 = vector.broadcast %div3A_122 : vector<512x1xf32> to vector<512x16xf32>
    %mul3A_126 = arith.mulf %mul3A_81, %mul3A_125 : vector<512x16xf32>
    %mul3A_127 = vector.broadcast %div3A_122 : vector<512x1xf32> to vector<512x16xf32>
    %mul3A_128 = arith.mulf %mul3A_82, %mul3A_127 : vector<512x16xf32>
    %concatenate3A_129 = tpu.concatenate %div3A_104, %mul3A_124, %mul3A_126, %mul3A_128 in 1 : vector<512x100xf32>, vector<512x16xf32>, vector<512x16xf32>, vector<512x16xf32> -> vector<512x148xf32>
    %swap3A = arith.constant 0 : index
    %swap3A_130 = arith.constant 0 : index
    %swap3A_131 = arith.constant 0 : index
    %swap3A_132 = vector.load %arg10[%swap3A, %swap3A_130, %swap3A_131] : memref<1x512x148xf32, #tpu.memory_space<vmem>>, vector<1x512x148xf32>
    %swap3A_133 = vector.shape_cast %swap3A_132 : vector<1x512x148xf32> to vector<512x148xf32>
    %swap3A_134 = vector.shape_cast %concatenate3A_129 : vector<512x148xf32> to vector<1x512x148xf32>
    tpu.vector_store %arg10[%swap3A, %swap3A_130, %swap3A_131], %swap3A_134 {strides = array<i32>} : memref<1x512x148xf32, #tpu.memory_space<vmem>>, vector<1x512x148xf32>,
    return
  }
  func.func @transform_0(%arg0: i32, %arg1: i32) -> (i32, i32, i32) {
    %c0_i32 = arith.constant 0 : i32
    %c0_i32_0 = arith.constant 0 : i32
    return %arg0, %arg1, %c0_i32 : i32, i32, i32
  }
  func.func @transform_1(%arg0: i32, %arg1: i32) -> (i32, i32, i32, i32) {
    %c0_i32 = arith.constant 0 : i32
    %c0_i32_0 = arith.constant 0 : i32
    %c0_i32_1 = arith.constant 0 : i32
    return %arg0, %c0_i32, %arg1, %c0_i32_0 : i32, i32, i32, i32
  }
  func.func @transform_2(%arg0: i32, %arg1: i32) -> (i32, i32) {
    %c0_i32 = arith.constant 0 : i32
    %c0_i32_0 = arith.constant 0 : i32
    %c0_i32_1 = arith.constant 0 : i32
    return %c0_i32, %c0_i32_0 : i32, i32
  }
  func.func @transform_3(%arg0: i32, %arg1: i32) -> (i32, i32) {
    %c0_i32 = arith.constant 0 : i32
    %c0_i32_0 = arith.constant 0 : i32
    %c0_i32_1 = arith.constant 0 : i32
    return %c0_i32, %c0_i32_0 : i32, i32
  }
  func.func @transform_4(%arg0: i32, %arg1: i32) -> (i32, i32) {
    %c0_i32 = arith.constant 0 : i32
    %c0_i32_0 = arith.constant 0 : i32
    %c0_i32_1 = arith.constant 0 : i32
    return %c0_i32, %c0_i32_0 : i32, i32
  }
  func.func @transform_5(%arg0: i32, %arg1: i32) -> (i32, i32) {
    %c0_i32 = arith.constant 0 : i32
    %c0_i32_0 = arith.constant 0 : i32
    %c0_i32_1 = arith.constant 0 : i32
    return %c0_i32, %c0_i32_0 : i32, i32
  }
  func.func @transform_6(%arg0: i32, %arg1: i32) -> (i32, i32) {
    %c0_i32 = arith.constant 0 : i32
    %c0_i32_0 = arith.constant 0 : i32
    %c0_i32_1 = arith.constant 0 : i32
    return %c0_i32, %c0_i32_0 : i32, i32
  }
  func.func @transform_7(%arg0: i32, %arg1: i32) -> (i32, i32) {
    %c0_i32 = arith.constant 0 : i32
    %c0_i32_0 = arith.constant 0 : i32
    %c0_i32_1 = arith.constant 0 : i32
    return %c0_i32, %c0_i32_0 : i32, i32
  }
  func.func @transform_8(%arg0: i32, %arg1: i32) -> (i32, i32, i32) {
    %c0_i32 = arith.constant 0 : i32
    %c0_i32_0 = arith.constant 0 : i32
    return %arg0, %arg1, %c0_i32 : i32, i32, i32
  }
}

module attributes {stable_mosaic.version = 14 : i64} {
  func.func @body(%arg0: i32, %arg1: i32, %arg2: memref<1x1x2048x1xi32, #tpu.memory_space<vmem>>, %arg3: memref<1x1024x4xf32, #tpu.memory_space<vmem>>, %arg4: memref<65x16xf32, #tpu.memory_space<vmem>>, %arg5: memref<1x1xf32, #tpu.memory_space<vmem>>, %arg6: memref<33x32xf32, #tpu.memory_space<vmem>>, %arg7: memref<1x32xf32, #tpu.memory_space<vmem>>, %arg8: memref<1x1xf32, #tpu.memory_space<vmem>>, %arg9: memref<32x1xf32, #tpu.memory_space<vmem>>, %arg10: memref<1x1xf32, #tpu.memory_space<vmem>>, %arg11: memref<1x2048x32xf32, #tpu.memory_space<vmem>>, %arg12: memref<1x2048x3xf32, #tpu.memory_space<vmem>>) attributes {dimension_semantics = [#tpu.dimension_semantics<arbitrary>, #tpu.dimension_semantics<arbitrary>], iteration_bounds = array<i64: 8, 8>, scalar_prefetch = 0 : i64, scratch_operands = 0 : i64, tpu.core_type = #tpu.core_type<tc>, window_params = [{transform_indices = @transform_0, window_bounds = array<i64: 1, 1, 2048, 1>}, {transform_indices = @transform_1, window_bounds = array<i64: 1, 1024, 4>}, {pipeline_mode = #tpu.pipeline_mode<synchronous>, transform_indices = @transform_2, window_bounds = array<i64: 65, 16>}, {pipeline_mode = #tpu.pipeline_mode<synchronous>, transform_indices = @transform_3, window_bounds = array<i64: 1, 1>}, {pipeline_mode = #tpu.pipeline_mode<synchronous>, transform_indices = @transform_4, window_bounds = array<i64: 33, 32>}, {pipeline_mode = #tpu.pipeline_mode<synchronous>, transform_indices = @transform_5, window_bounds = array<i64: 1, 32>}, {pipeline_mode = #tpu.pipeline_mode<synchronous>, transform_indices = @transform_6, window_bounds = array<i64: 1, 1>}, {pipeline_mode = #tpu.pipeline_mode<synchronous>, transform_indices = @transform_7, window_bounds = array<i64: 32, 1>}, {pipeline_mode = #tpu.pipeline_mode<synchronous>, transform_indices = @transform_8, window_bounds = array<i64: 1, 1>}, {transform_indices = @transform_9, window_bounds = array<i64: 1, 2048, 32>}, {transform_indices = @transform_10, window_bounds = array<i64: 1, 2048, 3>}]} {
    %mul3A = arith.constant 128 : i32
    %mul3A_0 = arith.muli %arg1, %mul3A : i32
    %get3A = arith.constant 0 : index
    %get3A_1 = arith.constant 0 : index
    %get3A_2 = arith.constant 0 : index
    %get3A_3 = arith.constant 0 : index
    %get3A_4 = vector.load %arg2[%get3A, %get3A_1, %get3A_2, %get3A_3] : memref<1x1x2048x1xi32, #tpu.memory_space<vmem>>, vector<1x1x2048x1xi32>
    %get3A_5 = vector.shape_cast %get3A_4 : vector<1x1x2048x1xi32> to vector<2048x1xi32>
    %iota3A = tpu.iota {dimensions = array<i32: 1>} : vector<1x1024xi32>
    %eq3A = vector.broadcast %get3A_5 : vector<2048x1xi32> to vector<2048x1024xi32>
    %eq3A_6 = vector.broadcast %iota3A : vector<1x1024xi32> to vector<2048x1024xi32>
    %eq3A_7 = arith.cmpi eq, %eq3A, %eq3A_6 : vector<2048x1024xi32>
    %convert_element_type3A = arith.extui %eq3A_7 : vector<2048x1024xi1> to vector<2048x1024xi32>
    %convert_element_type3A_8 = arith.sitofp %convert_element_type3A : vector<2048x1024xi32> to vector<2048x1024xf32>
    %convert_element_type3A_9 = arith.truncf %convert_element_type3A_8 : vector<2048x1024xf32> to vector<2048x1024xbf16>
    %get3A_10 = arith.constant 0 : index
    %get3A_11 = arith.constant 0 : index
    %get3A_12 = arith.constant 0 : index
    %get3A_13 = vector.load %arg3[%get3A_10, %get3A_11, %get3A_12] : memref<1x1024x4xf32, #tpu.memory_space<vmem>>, vector<1x1024x4xf32>
    %get3A_14 = vector.shape_cast %get3A_13 : vector<1x1024x4xf32> to vector<1024x4xf32>
    %convert_element_type3A_15 = arith.truncf %get3A_14 : vector<1024x4xf32> to vector<1024x4xbf16>
    %dot_general3A = arith.constant dense<0.000000e+00> : vector<2048x4xf32>
    %dot_general3A_16 = tpu.matmul %convert_element_type3A_9, %convert_element_type3A_15, %dot_general3A {dimension_numbers = #tpu.dot_dimension_numbers<[1], [0], [0], [1], [0, 0, 1, 1], [], []>, transpose_lhs_hint = false} : vector<2048x1024xbf16>, vector<1024x4xbf16>, vector<2048x4xf32> -> vector<2048x4xf32>
    %convert_element_type3A_17 = arith.extf %convert_element_type3A_15 : vector<1024x4xbf16> to vector<1024x4xf32>
    %sub3A = arith.subf %get3A_14, %convert_element_type3A_17 : vector<1024x4xf32>
    %convert_element_type3A_18 = arith.truncf %sub3A : vector<1024x4xf32> to vector<1024x4xbf16>
    %dot_general3A_19 = arith.constant dense<0.000000e+00> : vector<2048x4xf32>
    %dot_general3A_20 = tpu.matmul %convert_element_type3A_9, %convert_element_type3A_18, %dot_general3A_19 {dimension_numbers = #tpu.dot_dimension_numbers<[1], [0], [0], [1], [0, 0, 1, 1], [], []>, transpose_lhs_hint = false} : vector<2048x1024xbf16>, vector<1024x4xbf16>, vector<2048x4xf32> -> vector<2048x4xf32>
    %add3A = arith.addf %dot_general3A_16, %dot_general3A_20 : vector<2048x4xf32>
    %convert_element_type3A_21 = arith.extf %convert_element_type3A_18 : vector<1024x4xbf16> to vector<1024x4xf32>
    %sub3A_22 = arith.subf %sub3A, %convert_element_type3A_21 : vector<1024x4xf32>
    %convert_element_type3A_23 = arith.truncf %sub3A_22 : vector<1024x4xf32> to vector<1024x4xbf16>
    %dot_general3A_24 = arith.constant dense<0.000000e+00> : vector<2048x4xf32>
    %dot_general3A_25 = tpu.matmul %convert_element_type3A_9, %convert_element_type3A_23, %dot_general3A_24 {dimension_numbers = #tpu.dot_dimension_numbers<[1], [0], [0], [1], [0, 0, 1, 1], [], []>, transpose_lhs_hint = false} : vector<2048x1024xbf16>, vector<1024x4xbf16>, vector<2048x4xf32> -> vector<2048x4xf32>
    %add3A_26 = arith.addf %add3A, %dot_general3A_25 : vector<2048x4xf32>
    %get3A_27 = arith.constant 0 : index
    %get3A_28 = arith.index_cast %mul3A_0 : i32 to index
    %get3A_29 = arith.constant 0 : index
    %get3A_30 = vector.load %arg3[%get3A_27, %get3A_28, %get3A_29] : memref<1x1024x4xf32, #tpu.memory_space<vmem>>, vector<1x128x4xf32>
    %get3A_31 = vector.shape_cast %get3A_30 : vector<1x128x4xf32> to vector<128x4xf32>
    %broadcast_in_dim3A = vector.shape_cast %get3A_31 : vector<128x4xf32> to vector<128x1x4xf32>
    %broadcast_in_dim3A_32 = vector.shape_cast %broadcast_in_dim3A : vector<128x1x4xf32> to vector<128x1x4xf32>
    %broadcast_in_dim3A_33 = vector.broadcast %broadcast_in_dim3A_32 : vector<128x1x4xf32> to vector<128x16x4xf32>
    %reshape3A = vector.shape_cast %broadcast_in_dim3A_33 : vector<128x16x4xf32> to vector<2048x4xf32>
    %slice3A = vector.extract_strided_slice %add3A_26 {offsets = [0, 0], sizes = [2048, 3], strides = [1, 1]} : vector<2048x4xf32> to vector<2048x3xf32>
    %slice3A_34 = vector.extract_strided_slice %add3A_26 {offsets = [0, 3], sizes = [2048, 1], strides = [1, 1]} : vector<2048x4xf32> to vector<2048x1xf32>
    %slice3A_35 = vector.extract_strided_slice %reshape3A {offsets = [0, 0], sizes = [2048, 3], strides = [1, 1]} : vector<2048x4xf32> to vector<2048x3xf32>
    %slice3A_36 = vector.extract_strided_slice %reshape3A {offsets = [0, 3], sizes = [2048, 1], strides = [1, 1]} : vector<2048x4xf32> to vector<2048x1xf32>
    %sub3A_37 = arith.subf %slice3A, %slice3A_35 : vector<2048x3xf32>
    %mul3A_38 = arith.mulf %sub3A_37, %sub3A_37 : vector<2048x3xf32>
    %reduce_sum3A = arith.constant dense<0.000000e+00> : vector<2048xf32>
    %reduce_sum3A_39 = vector.multi_reduction <add>, %mul3A_38, %reduce_sum3A [1] : vector<2048x3xf32> to vector<2048xf32>
    %broadcast_in_dim3A_40 = vector.shape_cast %reduce_sum3A_39 : vector<2048xf32> to vector<2048x1xf32>
    %add3A_41 = arith.constant 9.99999993E-9 : f32
    %add3A_42 = vector.broadcast %add3A_41 : f32 to vector<2048x1xf32>
    %add3A_43 = arith.addf %broadcast_in_dim3A_40, %add3A_42 : vector<2048x1xf32>
    %sqrt3A = math.sqrt %add3A_43 : vector<2048x1xf32>
    %add3A_44 = arith.constant 9.99999993E-9 : f32
    %add3A_45 = vector.broadcast %add3A_44 : f32 to vector<2048x1xf32>
    %add3A_46 = arith.addf %broadcast_in_dim3A_40, %add3A_45 : vector<2048x1xf32>
    %sqrt3A_47 = math.sqrt %add3A_46 : vector<2048x1xf32>
    %div3A = vector.broadcast %sqrt3A_47 : vector<2048x1xf32> to vector<2048x3xf32>
    %div3A_48 = arith.divf %sub3A_37, %div3A : vector<2048x3xf32>
    %iota3A_49 = tpu.iota {dimensions = array<i32: 1>} : vector<1x16xi32>
    %convert_element_type3A_50 = arith.sitofp %iota3A_49 : vector<1x16xi32> to vector<1x16xf32>
    %mul3A_51 = arith.constant 1.33333337 : f32
    %mul3A_52 = vector.broadcast %mul3A_51 : f32 to vector<1x16xf32>
    %mul3A_53 = arith.mulf %convert_element_type3A_50, %mul3A_52 : vector<1x16xf32>
    %sub3A_54 = vector.broadcast %sqrt3A : vector<2048x1xf32> to vector<2048x16xf32>
    %sub3A_55 = vector.broadcast %mul3A_53 : vector<1x16xf32> to vector<2048x16xf32>
    %sub3A_56 = arith.subf %sub3A_54, %sub3A_55 : vector<2048x16xf32>
    %mul3A_57 = arith.constant 8.000000e-01 : f32
    %mul3A_58 = vector.broadcast %mul3A_57 : f32 to vector<2048x16xf32>
    %mul3A_59 = arith.mulf %sub3A_56, %mul3A_58 : vector<2048x16xf32>
    %mul3A_60 = arith.mulf %mul3A_59, %mul3A_59 : vector<2048x16xf32>
    %neg3A = arith.constant 0.000000e+00 : f32
    %neg3A_61 = vector.broadcast %neg3A : f32 to vector<2048x16xf32>
    %neg3A_62 = arith.subf %neg3A_61, %mul3A_60 : vector<2048x16xf32>
    %exp3A = math.exp %neg3A_62 : vector<2048x16xf32>
    %sub3A_63 = arith.subf %slice3A_34, %slice3A_36 : vector<2048x1xf32>
    %jit3A = arith.constant -3.200000e+01 : f32
    %jit3A_64 = arith.constant 3.200000e+01 : f32
    %max3A = vector.broadcast %jit3A : f32 to vector<2048x1xf32>
    %max3A_65 = arith.maximumf %max3A, %sub3A_63 : vector<2048x1xf32>
    %min3A = vector.broadcast %jit3A_64 : f32 to vector<2048x1xf32>
    %min3A_66 = arith.minimumf %min3A, %max3A_65 : vector<2048x1xf32>
    %convert_element_type3A_67 = arith.fptosi %min3A_66 : vector<2048x1xf32> to vector<2048x1xi32>
    %add3A_68 = arith.constant 32 : i32
    %add3A_69 = vector.broadcast %add3A_68 : i32 to vector<2048x1xi32>
    %add3A_70 = arith.addi %convert_element_type3A_67, %add3A_69 : vector<2048x1xi32>
    %iota3A_71 = tpu.iota {dimensions = array<i32: 1>} : vector<1x65xi32>
    %eq3A_72 = vector.broadcast %add3A_70 : vector<2048x1xi32> to vector<2048x65xi32>
    %eq3A_73 = vector.broadcast %iota3A_71 : vector<1x65xi32> to vector<2048x65xi32>
    %eq3A_74 = arith.cmpi eq, %eq3A_72, %eq3A_73 : vector<2048x65xi32>
    %convert_element_type3A_75 = arith.extui %eq3A_74 : vector<2048x65xi1> to vector<2048x65xi32>
    %convert_element_type3A_76 = arith.sitofp %convert_element_type3A_75 : vector<2048x65xi32> to vector<2048x65xf32>
    %convert_element_type3A_77 = arith.truncf %convert_element_type3A_76 : vector<2048x65xf32> to vector<2048x65xbf16>
    %get3A_78 = arith.constant 0 : index
    %get3A_79 = arith.constant 0 : index
    %get3A_80 = vector.load %arg4[%get3A_78, %get3A_79] : memref<65x16xf32, #tpu.memory_space<vmem>>, vector<65x16xf32>
    %convert_element_type3A_81 = arith.truncf %get3A_80 : vector<65x16xf32> to vector<65x16xbf16>
    %dot_general3A_82 = arith.constant dense<0.000000e+00> : vector<2048x16xf32>
    %dot_general3A_83 = tpu.matmul %convert_element_type3A_77, %convert_element_type3A_81, %dot_general3A_82 {dimension_numbers = #tpu.dot_dimension_numbers<[1], [0], [0], [1], [0, 0, 1, 1], [], []>, transpose_lhs_hint = false} : vector<2048x65xbf16>, vector<65x16xbf16>, vector<2048x16xf32> -> vector<2048x16xf32>
    %convert_element_type3A_84 = arith.extf %convert_element_type3A_81 : vector<65x16xbf16> to vector<65x16xf32>
    %sub3A_85 = arith.subf %get3A_80, %convert_element_type3A_84 : vector<65x16xf32>
    %convert_element_type3A_86 = arith.truncf %sub3A_85 : vector<65x16xf32> to vector<65x16xbf16>
    %dot_general3A_87 = arith.constant dense<0.000000e+00> : vector<2048x16xf32>
    %dot_general3A_88 = tpu.matmul %convert_element_type3A_77, %convert_element_type3A_86, %dot_general3A_87 {dimension_numbers = #tpu.dot_dimension_numbers<[1], [0], [0], [1], [0, 0, 1, 1], [], []>, transpose_lhs_hint = false} : vector<2048x65xbf16>, vector<65x16xbf16>, vector<2048x16xf32> -> vector<2048x16xf32>
    %add3A_89 = arith.addf %dot_general3A_83, %dot_general3A_88 : vector<2048x16xf32>
    %concatenate3A = tpu.concatenate %exp3A, %add3A_89 in 1 : vector<2048x16xf32>, vector<2048x16xf32> -> vector<2048x32xf32>
    %slice3A_90 = vector.extract_strided_slice %div3A_48 {offsets = [0, 0], sizes = [2048, 1], strides = [1, 1]} : vector<2048x3xf32> to vector<2048x1xf32>
    %slice3A_91 = vector.extract_strided_slice %div3A_48 {offsets = [0, 1], sizes = [2048, 1], strides = [1, 1]} : vector<2048x3xf32> to vector<2048x1xf32>
    %slice3A_92 = vector.extract_strided_slice %div3A_48 {offsets = [0, 2], sizes = [2048, 1], strides = [1, 1]} : vector<2048x3xf32> to vector<2048x1xf32>
    %get3A_93 = arith.constant 0 : index
    %get3A_94 = arith.constant 0 : index
    %get3A_95 = vector.load %arg5[%get3A_93, %get3A_94] : memref<1x1xf32, #tpu.memory_space<vmem>>, vector<1x1xf32>
    %mul3A_96 = vector.broadcast %get3A_95 : vector<1x1xf32> to vector<2048x1xf32>
    %mul3A_97 = arith.mulf %slice3A_90, %mul3A_96 : vector<2048x1xf32>
    %mul3A_98 = vector.broadcast %get3A_95 : vector<1x1xf32> to vector<2048x1xf32>
    %mul3A_99 = arith.mulf %slice3A_91, %mul3A_98 : vector<2048x1xf32>
    %mul3A_100 = vector.broadcast %get3A_95 : vector<1x1xf32> to vector<2048x1xf32>
    %mul3A_101 = arith.mulf %slice3A_92, %mul3A_100 : vector<2048x1xf32>
    %mul3A_102 = arith.mulf %mul3A_97, %mul3A_97 : vector<2048x1xf32>
    %mul3A_103 = arith.mulf %mul3A_99, %mul3A_99 : vector<2048x1xf32>
    %add3A_104 = arith.addf %mul3A_102, %mul3A_103 : vector<2048x1xf32>
    %mul3A_105 = arith.mulf %mul3A_101, %mul3A_101 : vector<2048x1xf32>
    %add3A_106 = arith.addf %add3A_104, %mul3A_105 : vector<2048x1xf32>
    %add3A_107 = arith.constant 9.99999993E-9 : f32
    %add3A_108 = vector.broadcast %add3A_107 : f32 to vector<2048x1xf32>
    %add3A_109 = arith.addf %add3A_106, %add3A_108 : vector<2048x1xf32>
    %sqrt3A_110 = math.sqrt %add3A_109 : vector<2048x1xf32>
    %concatenate3A_111 = tpu.concatenate %concatenate3A, %sqrt3A_110 in 1 : vector<2048x32xf32>, vector<2048x1xf32> -> vector<2048x33xf32>
    %get3A_112 = arith.constant 0 : index
    %get3A_113 = arith.constant 0 : index
    %get3A_114 = vector.load %arg6[%get3A_112, %get3A_113] : memref<33x32xf32, #tpu.memory_space<vmem>>, vector<33x32xf32>
    %dot_general3A_115 = arith.constant dense<0.000000e+00> : vector<2048x32xf32>
    %dot_general3A_116 = tpu.matmul %concatenate3A_111, %get3A_114, %dot_general3A_115 {dimension_numbers = #tpu.dot_dimension_numbers<[1], [0], [0], [1], [0, 0, 1, 1], [], []>, transpose_lhs_hint = false} : vector<2048x33xf32>, vector<33x32xf32>, vector<2048x32xf32> -> vector<2048x32xf32>
    %get3A_117 = arith.constant 0 : index
    %get3A_118 = arith.constant 0 : index
    %get3A_119 = vector.load %arg7[%get3A_117, %get3A_118] : memref<1x32xf32, #tpu.memory_space<vmem>>, vector<1x32xf32>
    %add3A_120 = vector.broadcast %get3A_119 : vector<1x32xf32> to vector<2048x32xf32>
    %add3A_121 = arith.addf %dot_general3A_116, %add3A_120 : vector<2048x32xf32>
    %get3A_122 = arith.constant 0 : index
    %get3A_123 = arith.constant 0 : index
    %get3A_124 = vector.load %arg8[%get3A_122, %get3A_123] : memref<1x1xf32, #tpu.memory_space<vmem>>, vector<1x1xf32>
    %get3A_125 = arith.constant 0 : index
    %get3A_126 = arith.constant 0 : index
    %get3A_127 = vector.load %arg9[%get3A_125, %get3A_126] : memref<32x1xf32, #tpu.memory_space<vmem>>, vector<32x1xf32>
    %dot_general3A_128 = arith.constant dense<0.000000e+00> : vector<2048x1xf32>
    %dot_general3A_129 = tpu.matmul %add3A_121, %get3A_127, %dot_general3A_128 {dimension_numbers = #tpu.dot_dimension_numbers<[1], [0], [0], [1], [0, 0, 1, 1], [], []>, transpose_lhs_hint = false} : vector<2048x32xf32>, vector<32x1xf32>, vector<2048x1xf32> -> vector<2048x1xf32>
    %get3A_130 = arith.constant 0 : index
    %get3A_131 = arith.constant 0 : index
    %get3A_132 = vector.load %arg10[%get3A_130, %get3A_131] : memref<1x1xf32, #tpu.memory_space<vmem>>, vector<1x1xf32>
    %add3A_133 = vector.broadcast %get3A_132 : vector<1x1xf32> to vector<2048x1xf32>
    %add3A_134 = arith.addf %dot_general3A_129, %add3A_133 : vector<2048x1xf32>
    %abs3A = math.absf %add3A_134 : vector<2048x1xf32>
    %neg3A_135 = arith.constant 0.000000e+00 : f32
    %neg3A_136 = vector.broadcast %neg3A_135 : f32 to vector<2048x1xf32>
    %neg3A_137 = arith.subf %neg3A_136, %abs3A : vector<2048x1xf32>
    %exp3A_138 = math.exp %neg3A_137 : vector<2048x1xf32>
    %ge3A = arith.constant 0.000000e+00 : f32
    %ge3A_139 = vector.broadcast %ge3A : f32 to vector<2048x1xf32>
    %ge3A_140 = arith.cmpf oge, %add3A_134, %ge3A_139 : vector<2048x1xf32>
    %add3A_141 = arith.constant 1.000000e+00 : f32
    %add3A_142 = vector.broadcast %add3A_141 : f32 to vector<2048x1xf32>
    %add3A_143 = arith.addf %add3A_142, %exp3A_138 : vector<2048x1xf32>
    %div3A_144 = arith.constant 1.000000e+00 : f32
    %div3A_145 = vector.broadcast %div3A_144 : f32 to vector<2048x1xf32>
    %div3A_146 = arith.divf %div3A_145, %add3A_143 : vector<2048x1xf32>
    %add3A_147 = arith.constant 1.000000e+00 : f32
    %add3A_148 = vector.broadcast %add3A_147 : f32 to vector<2048x1xf32>
    %add3A_149 = arith.addf %add3A_148, %exp3A_138 : vector<2048x1xf32>
    %div3A_150 = arith.divf %exp3A_138, %add3A_149 : vector<2048x1xf32>
    %select_n3A = arith.select %ge3A_140, %div3A_146, %div3A_150 : vector<2048x1xi1>, vector<2048x1xf32>
    %mul3A_151 = vector.broadcast %get3A_124 : vector<1x1xf32> to vector<2048x1xf32>
    %mul3A_152 = arith.mulf %mul3A_97, %mul3A_151 : vector<2048x1xf32>
    %mul3A_153 = arith.mulf %mul3A_152, %select_n3A : vector<2048x1xf32>
    %mul3A_154 = vector.broadcast %get3A_124 : vector<1x1xf32> to vector<2048x1xf32>
    %mul3A_155 = arith.mulf %mul3A_99, %mul3A_154 : vector<2048x1xf32>
    %mul3A_156 = arith.mulf %mul3A_155, %select_n3A : vector<2048x1xf32>
    %mul3A_157 = vector.broadcast %get3A_124 : vector<1x1xf32> to vector<2048x1xf32>
    %mul3A_158 = arith.mulf %mul3A_101, %mul3A_157 : vector<2048x1xf32>
    %mul3A_159 = arith.mulf %mul3A_158, %select_n3A : vector<2048x1xf32>
    %max3A_160 = arith.constant 0.000000e+00 : f32
    %max3A_161 = vector.broadcast %max3A_160 : f32 to vector<2048x32xf32>
    %max3A_162 = arith.maximumf %add3A_121, %max3A_161 : vector<2048x32xf32>
    %reduce_sum3A_163 = arith.constant dense<0.000000e+00> : vector<2048xf32>
    %reduce_sum3A_164 = vector.multi_reduction <add>, %max3A_162, %reduce_sum3A_163 [1] : vector<2048x32xf32> to vector<2048xf32>
    %broadcast_in_dim3A_165 = vector.shape_cast %reduce_sum3A_164 : vector<2048xf32> to vector<2048x1xf32>
    %div3A_166 = arith.constant 3.200000e+01 : f32
    %div3A_167 = vector.broadcast %div3A_166 : f32 to vector<2048x1xf32>
    %div3A_168 = arith.divf %broadcast_in_dim3A_165, %div3A_167 : vector<2048x1xf32>
    %sub3A_169 = vector.broadcast %div3A_168 : vector<2048x1xf32> to vector<2048x32xf32>
    %sub3A_170 = arith.subf %max3A_162, %sub3A_169 : vector<2048x32xf32>
    %sub3A_171 = vector.broadcast %div3A_168 : vector<2048x1xf32> to vector<2048x32xf32>
    %sub3A_172 = arith.subf %max3A_162, %sub3A_171 : vector<2048x32xf32>
    %mul3A_173 = arith.mulf %sub3A_170, %sub3A_172 : vector<2048x32xf32>
    %reduce_sum3A_174 = arith.constant dense<0.000000e+00> : vector<2048xf32>
    %reduce_sum3A_175 = vector.multi_reduction <add>, %mul3A_173, %reduce_sum3A_174 [1] : vector<2048x32xf32> to vector<2048xf32>
    %broadcast_in_dim3A_176 = vector.shape_cast %reduce_sum3A_175 : vector<2048xf32> to vector<2048x1xf32>
    %div3A_177 = arith.constant 3.200000e+01 : f32
    %div3A_178 = vector.broadcast %div3A_177 : f32 to vector<2048x1xf32>
    %div3A_179 = arith.divf %broadcast_in_dim3A_176, %div3A_178 : vector<2048x1xf32>
    %sub3A_180 = vector.broadcast %div3A_168 : vector<2048x1xf32> to vector<2048x32xf32>
    %sub3A_181 = arith.subf %max3A_162, %sub3A_180 : vector<2048x32xf32>
    %add3A_182 = arith.constant 9.99999974E-5 : f32
    %add3A_183 = vector.broadcast %add3A_182 : f32 to vector<2048x1xf32>
    %add3A_184 = arith.addf %div3A_179, %add3A_183 : vector<2048x1xf32>
    %sqrt3A_185 = math.sqrt %add3A_184 : vector<2048x1xf32>
    %div3A_186 = vector.broadcast %sqrt3A_185 : vector<2048x1xf32> to vector<2048x32xf32>
    %div3A_187 = arith.divf %sub3A_181, %div3A_186 : vector<2048x32xf32>
    %mul3A_188 = arith.mulf %mul3A_153, %mul3A_153 : vector<2048x1xf32>
    %mul3A_189 = arith.mulf %mul3A_156, %mul3A_156 : vector<2048x1xf32>
    %add3A_190 = arith.addf %mul3A_188, %mul3A_189 : vector<2048x1xf32>
    %mul3A_191 = arith.mulf %mul3A_159, %mul3A_159 : vector<2048x1xf32>
    %add3A_192 = arith.addf %add3A_190, %mul3A_191 : vector<2048x1xf32>
    %reduce_sum3A_193 = arith.constant dense<0.000000e+00> : vector<2048xf32>
    %reduce_sum3A_194 = vector.multi_reduction <add>, %add3A_192, %reduce_sum3A_193 [1] : vector<2048x1xf32> to vector<2048xf32>
    %broadcast_in_dim3A_195 = vector.shape_cast %reduce_sum3A_194 : vector<2048xf32> to vector<2048x1xf32>
    %div3A_196 = arith.constant 1.000000e+00 : f32
    %div3A_197 = vector.broadcast %div3A_196 : f32 to vector<2048x1xf32>
    %div3A_198 = arith.divf %broadcast_in_dim3A_195, %div3A_197 : vector<2048x1xf32>
    %add3A_199 = arith.constant 9.99999974E-5 : f32
    %add3A_200 = vector.broadcast %add3A_199 : f32 to vector<2048x1xf32>
    %add3A_201 = arith.addf %div3A_198, %add3A_200 : vector<2048x1xf32>
    %sqrt3A_202 = math.sqrt %add3A_201 : vector<2048x1xf32>
    %div3A_203 = arith.constant 1.000000e+00 : f32
    %div3A_204 = vector.broadcast %div3A_203 : f32 to vector<2048x1xf32>
    %div3A_205 = arith.divf %div3A_204, %sqrt3A_202 : vector<2048x1xf32>
    %mul3A_206 = arith.mulf %mul3A_153, %div3A_205 : vector<2048x1xf32>
    %mul3A_207 = arith.mulf %mul3A_156, %div3A_205 : vector<2048x1xf32>
    %mul3A_208 = arith.mulf %mul3A_159, %div3A_205 : vector<2048x1xf32>
    %swap3A = arith.constant 0 : index
    %swap3A_209 = arith.constant 0 : index
    %swap3A_210 = arith.constant 0 : index
    %swap3A_211 = vector.load %arg11[%swap3A, %swap3A_209, %swap3A_210] : memref<1x2048x32xf32, #tpu.memory_space<vmem>>, vector<1x2048x32xf32>
    %swap3A_212 = vector.shape_cast %swap3A_211 : vector<1x2048x32xf32> to vector<2048x32xf32>
    %swap3A_213 = vector.shape_cast %div3A_187 : vector<2048x32xf32> to vector<1x2048x32xf32>
    tpu.vector_store %arg11[%swap3A, %swap3A_209, %swap3A_210], %swap3A_213 {strides = array<i32>} : memref<1x2048x32xf32, #tpu.memory_space<vmem>>, vector<1x2048x32xf32>,
    %concatenate3A_214 = tpu.concatenate %mul3A_206, %mul3A_207, %mul3A_208 in 1 : vector<2048x1xf32>, vector<2048x1xf32>, vector<2048x1xf32> -> vector<2048x3xf32>
    %swap3A_215 = arith.constant 0 : index
    %swap3A_216 = arith.constant 0 : index
    %swap3A_217 = arith.constant 0 : index
    %swap3A_218 = vector.load %arg12[%swap3A_215, %swap3A_216, %swap3A_217] : memref<1x2048x3xf32, #tpu.memory_space<vmem>>, vector<1x2048x3xf32>
    %swap3A_219 = vector.shape_cast %swap3A_218 : vector<1x2048x3xf32> to vector<2048x3xf32>
    %swap3A_220 = vector.shape_cast %concatenate3A_214 : vector<2048x3xf32> to vector<1x2048x3xf32>
    tpu.vector_store %arg12[%swap3A_215, %swap3A_216, %swap3A_217], %swap3A_220 {strides = array<i32>} : memref<1x2048x3xf32, #tpu.memory_space<vmem>>, vector<1x2048x3xf32>,
    return
  }
  func.func @transform_0(%arg0: i32, %arg1: i32) -> (i32, i32, i32, i32) {
    %c0_i32 = arith.constant 0 : i32
    %c0_i32_0 = arith.constant 0 : i32
    %c0_i32_1 = arith.constant 0 : i32
    return %arg0, %arg1, %c0_i32, %c0_i32_0 : i32, i32, i32, i32
  }
  func.func @transform_1(%arg0: i32, %arg1: i32) -> (i32, i32, i32) {
    %c0_i32 = arith.constant 0 : i32
    %c0_i32_0 = arith.constant 0 : i32
    %c0_i32_1 = arith.constant 0 : i32
    return %arg0, %c0_i32, %c0_i32_0 : i32, i32, i32
  }
  func.func @transform_2(%arg0: i32, %arg1: i32) -> (i32, i32) {
    %c0_i32 = arith.constant 0 : i32
    %c0_i32_0 = arith.constant 0 : i32
    %c0_i32_1 = arith.constant 0 : i32
    return %c0_i32, %c0_i32_0 : i32, i32
  }
  func.func @transform_3(%arg0: i32, %arg1: i32) -> (i32, i32) {
    %c0_i32 = arith.constant 0 : i32
    %c0_i32_0 = arith.constant 0 : i32
    %c0_i32_1 = arith.constant 0 : i32
    return %c0_i32, %c0_i32_0 : i32, i32
  }
  func.func @transform_4(%arg0: i32, %arg1: i32) -> (i32, i32) {
    %c0_i32 = arith.constant 0 : i32
    %c0_i32_0 = arith.constant 0 : i32
    %c0_i32_1 = arith.constant 0 : i32
    return %c0_i32, %c0_i32_0 : i32, i32
  }
  func.func @transform_5(%arg0: i32, %arg1: i32) -> (i32, i32) {
    %c0_i32 = arith.constant 0 : i32
    %c0_i32_0 = arith.constant 0 : i32
    %c0_i32_1 = arith.constant 0 : i32
    return %c0_i32, %c0_i32_0 : i32, i32
  }
  func.func @transform_6(%arg0: i32, %arg1: i32) -> (i32, i32) {
    %c0_i32 = arith.constant 0 : i32
    %c0_i32_0 = arith.constant 0 : i32
    %c0_i32_1 = arith.constant 0 : i32
    return %c0_i32, %c0_i32_0 : i32, i32
  }
  func.func @transform_7(%arg0: i32, %arg1: i32) -> (i32, i32) {
    %c0_i32 = arith.constant 0 : i32
    %c0_i32_0 = arith.constant 0 : i32
    %c0_i32_1 = arith.constant 0 : i32
    return %c0_i32, %c0_i32_0 : i32, i32
  }
  func.func @transform_8(%arg0: i32, %arg1: i32) -> (i32, i32) {
    %c0_i32 = arith.constant 0 : i32
    %c0_i32_0 = arith.constant 0 : i32
    %c0_i32_1 = arith.constant 0 : i32
    return %c0_i32, %c0_i32_0 : i32, i32
  }
  func.func @transform_9(%arg0: i32, %arg1: i32) -> (i32, i32, i32) {
    %c0_i32 = arith.constant 0 : i32
    %c0_i32_0 = arith.constant 0 : i32
    return %arg0, %arg1, %c0_i32 : i32, i32, i32
  }
  func.func @transform_10(%arg0: i32, %arg1: i32) -> (i32, i32, i32) {
    %c0_i32 = arith.constant 0 : i32
    %c0_i32_0 = arith.constant 0 : i32
    return %arg0, %arg1, %c0_i32 : i32, i32, i32
  }
}

module attributes {stable_mosaic.version = 14 : i64} {
  func.func @body(%arg0: i32, %arg1: i32, %arg2: memref<1x1x2048x1xi32, #tpu.memory_space<vmem>>, %arg3: memref<1x1024x148xf32, #tpu.memory_space<vmem>>, %arg4: memref<1x2048x32xf32, #tpu.memory_space<vmem>>, %arg5: memref<1x2048x3xf32, #tpu.memory_space<vmem>>, %arg6: memref<33x33xf32, #tpu.memory_space<vmem>>, %arg7: memref<265x100xf32, #tpu.memory_space<vmem>>, %arg8: memref<1x100xf32, #tpu.memory_space<vmem>>, %arg9: memref<33x16xf32, #tpu.memory_space<vmem>>, %arg10: memref<100x16xf32, #tpu.memory_space<vmem>>, %arg11: memref<1x16xf32, #tpu.memory_space<vmem>>, %arg12: memref<16x16xf32, #tpu.memory_space<vmem>>, %arg13: memref<116x100xf32, #tpu.memory_space<vmem>>, %arg14: memref<1x100xf32, #tpu.memory_space<vmem>>, %arg15: memref<16x16xf32, #tpu.memory_space<vmem>>, %arg16: memref<100x16xf32, #tpu.memory_space<vmem>>, %arg17: memref<1x16xf32, #tpu.memory_space<vmem>>, %arg18: memref<16x16xf32, #tpu.memory_space<vmem>>, %arg19: memref<116x100xf32, #tpu.memory_space<vmem>>, %arg20: memref<1x100xf32, #tpu.memory_space<vmem>>, %arg21: memref<16x16xf32, #tpu.memory_space<vmem>>, %arg22: memref<100x16xf32, #tpu.memory_space<vmem>>, %arg23: memref<1x16xf32, #tpu.memory_space<vmem>>, %arg24: memref<16x32xf32, #tpu.memory_space<vmem>>, %arg25: memref<132x200xf32, #tpu.memory_space<vmem>>, %arg26: memref<1x200xf32, #tpu.memory_space<vmem>>, %arg27: memref<32x32xf32, #tpu.memory_space<vmem>>, %arg28: memref<200x32xf32, #tpu.memory_space<vmem>>, %arg29: memref<1x32xf32, #tpu.memory_space<vmem>>, %arg30: memref<32x32xf32, #tpu.memory_space<vmem>>, %arg31: memref<232x100xf32, #tpu.memory_space<vmem>>, %arg32: memref<1x100xf32, #tpu.memory_space<vmem>>, %arg33: memref<32x16xf32, #tpu.memory_space<vmem>>, %arg34: memref<100x16xf32, #tpu.memory_space<vmem>>, %arg35: memref<1x16xf32, #tpu.memory_space<vmem>>, %arg36: memref<1x128x148xf32, #tpu.memory_space<vmem>>) attributes {dimension_semantics = [#tpu.dimension_semantics<arbitrary>, #tpu.dimension_semantics<arbitrary>], iteration_bounds = array<i64: 8, 8>, scalar_prefetch = 0 : i64, scratch_operands = 0 : i64, tpu.core_type = #tpu.core_type<tc>, window_params = [{transform_indices = @transform_0, window_bounds = array<i64: 1, 1, 2048, 1>}, {transform_indices = @transform_1, window_bounds = array<i64: 1, 1024, 148>}, {transform_indices = @transform_2, window_bounds = array<i64: 1, 2048, 32>}, {transform_indices = @transform_3, window_bounds = array<i64: 1, 2048, 3>}, {pipeline_mode = #tpu.pipeline_mode<synchronous>, transform_indices = @transform_4, window_bounds = array<i64: 33, 33>}, {pipeline_mode = #tpu.pipeline_mode<synchronous>, transform_indices = @transform_5, window_bounds = array<i64: 265, 100>}, {pipeline_mode = #tpu.pipeline_mode<synchronous>, transform_indices = @transform_6, window_bounds = array<i64: 1, 100>}, {pipeline_mode = #tpu.pipeline_mode<synchronous>, transform_indices = @transform_7, window_bounds = array<i64: 33, 16>}, {pipeline_mode = #tpu.pipeline_mode<synchronous>, transform_indices = @transform_8, window_bounds = array<i64: 100, 16>}, {pipeline_mode = #tpu.pipeline_mode<synchronous>, transform_indices = @transform_9, window_bounds = array<i64: 1, 16>}, {pipeline_mode = #tpu.pipeline_mode<synchronous>, transform_indices = @transform_10, window_bounds = array<i64: 16, 16>}, {pipeline_mode = #tpu.pipeline_mode<synchronous>, transform_indices = @transform_11, window_bounds = array<i64: 116, 100>}, {pipeline_mode = #tpu.pipeline_mode<synchronous>, transform_indices = @transform_12, window_bounds = array<i64: 1, 100>}, {pipeline_mode = #tpu.pipeline_mode<synchronous>, transform_indices = @transform_13, window_bounds = array<i64: 16, 16>}, {pipeline_mode = #tpu.pipeline_mode<synchronous>, transform_indices = @transform_14, window_bounds = array<i64: 100, 16>}, {pipeline_mode = #tpu.pipeline_mode<synchronous>, transform_indices = @transform_15, window_bounds = array<i64: 1, 16>}, {pipeline_mode = #tpu.pipeline_mode<synchronous>, transform_indices = @transform_16, window_bounds = array<i64: 16, 16>}, {pipeline_mode = #tpu.pipeline_mode<synchronous>, transform_indices = @transform_17, window_bounds = array<i64: 116, 100>}, {pipeline_mode = #tpu.pipeline_mode<synchronous>, transform_indices = @transform_18, window_bounds = array<i64: 1, 100>}, {pipeline_mode = #tpu.pipeline_mode<synchronous>, transform_indices = @transform_19, window_bounds = array<i64: 16, 16>}, {pipeline_mode = #tpu.pipeline_mode<synchronous>, transform_indices = @transform_20, window_bounds = array<i64: 100, 16>}, {pipeline_mode = #tpu.pipeline_mode<synchronous>, transform_indices = @transform_21, window_bounds = array<i64: 1, 16>}, {pipeline_mode = #tpu.pipeline_mode<synchronous>, transform_indices = @transform_22, window_bounds = array<i64: 16, 32>}, {pipeline_mode = #tpu.pipeline_mode<synchronous>, transform_indices = @transform_23, window_bounds = array<i64: 132, 200>}, {pipeline_mode = #tpu.pipeline_mode<synchronous>, transform_indices = @transform_24, window_bounds = array<i64: 1, 200>}, {pipeline_mode = #tpu.pipeline_mode<synchronous>, transform_indices = @transform_25, window_bounds = array<i64: 32, 32>}, {pipeline_mode = #tpu.pipeline_mode<synchronous>, transform_indices = @transform_26, window_bounds = array<i64: 200, 32>}, {pipeline_mode = #tpu.pipeline_mode<synchronous>, transform_indices = @transform_27, window_bounds = array<i64: 1, 32>}, {pipeline_mode = #tpu.pipeline_mode<synchronous>, transform_indices = @transform_28, window_bounds = array<i64: 32, 32>}, {pipeline_mode = #tpu.pipeline_mode<synchronous>, transform_indices = @transform_29, window_bounds = array<i64: 232, 100>}, {pipeline_mode = #tpu.pipeline_mode<synchronous>, transform_indices = @transform_30, window_bounds = array<i64: 1, 100>}, {pipeline_mode = #tpu.pipeline_mode<synchronous>, transform_indices = @transform_31, window_bounds = array<i64: 32, 16>}, {pipeline_mode = #tpu.pipeline_mode<synchronous>, transform_indices = @transform_32, window_bounds = array<i64: 100, 16>}, {pipeline_mode = #tpu.pipeline_mode<synchronous>, transform_indices = @transform_33, window_bounds = array<i64: 1, 16>}, {transform_indices = @transform_34, window_bounds = array<i64: 1, 128, 148>}]} {
    %mul3A = arith.constant 128 : i32
    %mul3A_0 = arith.muli %arg1, %mul3A : i32
    %get3A = arith.constant 0 : index
    %get3A_1 = arith.constant 0 : index
    %get3A_2 = arith.constant 0 : index
    %get3A_3 = arith.constant 0 : index
    %get3A_4 = vector.load %arg2[%get3A, %get3A_1, %get3A_2, %get3A_3] : memref<1x1x2048x1xi32, #tpu.memory_space<vmem>>, vector<1x1x2048x1xi32>
    %get3A_5 = vector.shape_cast %get3A_4 : vector<1x1x2048x1xi32> to vector<2048x1xi32>
    %iota3A = tpu.iota {dimensions = array<i32: 1>} : vector<1x1024xi32>
    %eq3A = vector.broadcast %get3A_5 : vector<2048x1xi32> to vector<2048x1024xi32>
    %eq3A_6 = vector.broadcast %iota3A : vector<1x1024xi32> to vector<2048x1024xi32>
    %eq3A_7 = arith.cmpi eq, %eq3A, %eq3A_6 : vector<2048x1024xi32>
    %convert_element_type3A = arith.extui %eq3A_7 : vector<2048x1024xi1> to vector<2048x1024xi32>
    %convert_element_type3A_8 = arith.sitofp %convert_element_type3A : vector<2048x1024xi32> to vector<2048x1024xf32>
    %convert_element_type3A_9 = arith.truncf %convert_element_type3A_8 : vector<2048x1024xf32> to vector<2048x1024xbf16>
    %get3A_10 = arith.constant 0 : index
    %get3A_11 = arith.constant 0 : index
    %get3A_12 = arith.constant 0 : index
    %get3A_13 = vector.load %arg3[%get3A_10, %get3A_11, %get3A_12] : memref<1x1024x148xf32, #tpu.memory_space<vmem>>, vector<1x1024x148xf32>
    %get3A_14 = vector.shape_cast %get3A_13 : vector<1x1024x148xf32> to vector<1024x148xf32>
    %convert_element_type3A_15 = arith.truncf %get3A_14 : vector<1024x148xf32> to vector<1024x148xbf16>
    %dot_general3A = arith.constant dense<0.000000e+00> : vector<2048x148xf32>
    %dot_general3A_16 = tpu.matmul %convert_element_type3A_9, %convert_element_type3A_15, %dot_general3A {dimension_numbers = #tpu.dot_dimension_numbers<[1], [0], [0], [1], [0, 0, 1, 1], [], []>, transpose_lhs_hint = false} : vector<2048x1024xbf16>, vector<1024x148xbf16>, vector<2048x148xf32> -> vector<2048x148xf32>
    %convert_element_type3A_17 = arith.extf %convert_element_type3A_15 : vector<1024x148xbf16> to vector<1024x148xf32>
    %sub3A = arith.subf %get3A_14, %convert_element_type3A_17 : vector<1024x148xf32>
    %convert_element_type3A_18 = arith.truncf %sub3A : vector<1024x148xf32> to vector<1024x148xbf16>
    %dot_general3A_19 = arith.constant dense<0.000000e+00> : vector<2048x148xf32>
    %dot_general3A_20 = tpu.matmul %convert_element_type3A_9, %convert_element_type3A_18, %dot_general3A_19 {dimension_numbers = #tpu.dot_dimension_numbers<[1], [0], [0], [1], [0, 0, 1, 1], [], []>, transpose_lhs_hint = false} : vector<2048x1024xbf16>, vector<1024x148xbf16>, vector<2048x148xf32> -> vector<2048x148xf32>
    %add3A = arith.addf %dot_general3A_16, %dot_general3A_20 : vector<2048x148xf32>
    %get3A_21 = arith.constant 0 : index
    %get3A_22 = arith.index_cast %mul3A_0 : i32 to index
    %get3A_23 = arith.constant 0 : index
    %get3A_24 = vector.load %arg3[%get3A_21, %get3A_22, %get3A_23] : memref<1x1024x148xf32, #tpu.memory_space<vmem>>, vector<1x128x148xf32>
    %get3A_25 = vector.shape_cast %get3A_24 : vector<1x128x148xf32> to vector<128x148xf32>
    %broadcast_in_dim3A = vector.shape_cast %get3A_25 : vector<128x148xf32> to vector<128x1x148xf32>
    %broadcast_in_dim3A_26 = vector.shape_cast %broadcast_in_dim3A : vector<128x1x148xf32> to vector<128x1x148xf32>
    %broadcast_in_dim3A_27 = vector.broadcast %broadcast_in_dim3A_26 : vector<128x1x148xf32> to vector<128x16x148xf32>
    %reshape3A = vector.shape_cast %broadcast_in_dim3A_27 : vector<128x16x148xf32> to vector<2048x148xf32>
    %get3A_28 = arith.constant 0 : index
    %get3A_29 = arith.constant 0 : index
    %get3A_30 = arith.constant 0 : index
    %get3A_31 = vector.load %arg4[%get3A_28, %get3A_29, %get3A_30] : memref<1x2048x32xf32, #tpu.memory_space<vmem>>, vector<1x2048x32xf32>
    %get3A_32 = vector.shape_cast %get3A_31 : vector<1x2048x32xf32> to vector<2048x32xf32>
    %get3A_33 = arith.constant 0 : index
    %get3A_34 = arith.constant 0 : index
    %get3A_35 = arith.constant 0 : index
    %get3A_36 = vector.load %arg5[%get3A_33, %get3A_34, %get3A_35] : memref<1x2048x3xf32, #tpu.memory_space<vmem>>, vector<1x2048x3xf32>
    %get3A_37 = vector.shape_cast %get3A_36 : vector<1x2048x3xf32> to vector<2048x3xf32>
    %slice3A = vector.extract_strided_slice %reshape3A {offsets = [0, 0], sizes = [2048, 100], strides = [1, 1]} : vector<2048x148xf32> to vector<2048x100xf32>
    %slice3A_38 = vector.extract_strided_slice %add3A {offsets = [0, 0], sizes = [2048, 100], strides = [1, 1]} : vector<2048x148xf32> to vector<2048x100xf32>
    %concatenate3A = tpu.concatenate %slice3A, %get3A_32, %slice3A_38 in 1 : vector<2048x100xf32>, vector<2048x32xf32>, vector<2048x100xf32> -> vector<2048x232xf32>
    %slice3A_39 = vector.extract_strided_slice %reshape3A {offsets = [0, 100], sizes = [2048, 16], strides = [1, 1]} : vector<2048x148xf32> to vector<2048x16xf32>
    %slice3A_40 = vector.extract_strided_slice %get3A_37 {offsets = [0, 0], sizes = [2048, 1], strides = [1, 1]} : vector<2048x3xf32> to vector<2048x1xf32>
    %slice3A_41 = vector.extract_strided_slice %add3A {offsets = [0, 100], sizes = [2048, 16], strides = [1, 1]} : vector<2048x148xf32> to vector<2048x16xf32>
    %concatenate3A_42 = tpu.concatenate %slice3A_39, %slice3A_40, %slice3A_41 in 1 : vector<2048x16xf32>, vector<2048x1xf32>, vector<2048x16xf32> -> vector<2048x33xf32>
    %slice3A_43 = vector.extract_strided_slice %reshape3A {offsets = [0, 116], sizes = [2048, 16], strides = [1, 1]} : vector<2048x148xf32> to vector<2048x16xf32>
    %slice3A_44 = vector.extract_strided_slice %get3A_37 {offsets = [0, 1], sizes = [2048, 1], strides = [1, 1]} : vector<2048x3xf32> to vector<2048x1xf32>
    %slice3A_45 = vector.extract_strided_slice %add3A {offsets = [0, 116], sizes = [2048, 16], strides = [1, 1]} : vector<2048x148xf32> to vector<2048x16xf32>
    %concatenate3A_46 = tpu.concatenate %slice3A_43, %slice3A_44, %slice3A_45 in 1 : vector<2048x16xf32>, vector<2048x1xf32>, vector<2048x16xf32> -> vector<2048x33xf32>
    %slice3A_47 = vector.extract_strided_slice %reshape3A {offsets = [0, 132], sizes = [2048, 16], strides = [1, 1]} : vector<2048x148xf32> to vector<2048x16xf32>
    %slice3A_48 = vector.extract_strided_slice %get3A_37 {offsets = [0, 2], sizes = [2048, 1], strides = [1, 1]} : vector<2048x3xf32> to vector<2048x1xf32>
    %slice3A_49 = vector.extract_strided_slice %add3A {offsets = [0, 132], sizes = [2048, 16], strides = [1, 1]} : vector<2048x148xf32> to vector<2048x16xf32>
    %concatenate3A_50 = tpu.concatenate %slice3A_47, %slice3A_48, %slice3A_49 in 1 : vector<2048x16xf32>, vector<2048x1xf32>, vector<2048x16xf32> -> vector<2048x33xf32>
    %get3A_51 = arith.constant 0 : index
    %get3A_52 = arith.constant 0 : index
    %get3A_53 = vector.load %arg6[%get3A_51, %get3A_52] : memref<33x33xf32, #tpu.memory_space<vmem>>, vector<33x33xf32>
    %dot_general3A_54 = arith.constant dense<0.000000e+00> : vector<2048x33xf32>
    %dot_general3A_55 = tpu.matmul %concatenate3A_42, %get3A_53, %dot_general3A_54 {dimension_numbers = #tpu.dot_dimension_numbers<[1], [0], [0], [1], [0, 0, 1, 1], [], []>, transpose_lhs_hint = false} : vector<2048x33xf32>, vector<33x33xf32>, vector<2048x33xf32> -> vector<2048x33xf32>
    %dot_general3A_56 = arith.constant dense<0.000000e+00> : vector<2048x33xf32>
    %dot_general3A_57 = tpu.matmul %concatenate3A_46, %get3A_53, %dot_general3A_56 {dimension_numbers = #tpu.dot_dimension_numbers<[1], [0], [0], [1], [0, 0, 1, 1], [], []>, transpose_lhs_hint = false} : vector<2048x33xf32>, vector<33x33xf32>, vector<2048x33xf32> -> vector<2048x33xf32>
    %dot_general3A_58 = arith.constant dense<0.000000e+00> : vector<2048x33xf32>
    %dot_general3A_59 = tpu.matmul %concatenate3A_50, %get3A_53, %dot_general3A_58 {dimension_numbers = #tpu.dot_dimension_numbers<[1], [0], [0], [1], [0, 0, 1, 1], [], []>, transpose_lhs_hint = false} : vector<2048x33xf32>, vector<33x33xf32>, vector<2048x33xf32> -> vector<2048x33xf32>
    %mul3A_60 = arith.mulf %dot_general3A_55, %dot_general3A_55 : vector<2048x33xf32>
    %mul3A_61 = arith.mulf %dot_general3A_57, %dot_general3A_57 : vector<2048x33xf32>
    %add3A_62 = arith.addf %mul3A_60, %mul3A_61 : vector<2048x33xf32>
    %mul3A_63 = arith.mulf %dot_general3A_59, %dot_general3A_59 : vector<2048x33xf32>
    %add3A_64 = arith.addf %add3A_62, %mul3A_63 : vector<2048x33xf32>
    %add3A_65 = arith.constant 9.99999993E-9 : f32
    %add3A_66 = vector.broadcast %add3A_65 : f32 to vector<2048x33xf32>
    %add3A_67 = arith.addf %add3A_64, %add3A_66 : vector<2048x33xf32>
    %sqrt3A = math.sqrt %add3A_67 : vector<2048x33xf32>
    %concatenate3A_68 = tpu.concatenate %concatenate3A, %sqrt3A in 1 : vector<2048x232xf32>, vector<2048x33xf32> -> vector<2048x265xf32>
    %get3A_69 = arith.constant 0 : index
    %get3A_70 = arith.constant 0 : index
    %get3A_71 = vector.load %arg7[%get3A_69, %get3A_70] : memref<265x100xf32, #tpu.memory_space<vmem>>, vector<265x100xf32>
    %dot_general3A_72 = arith.constant dense<0.000000e+00> : vector<2048x100xf32>
    %dot_general3A_73 = tpu.matmul %concatenate3A_68, %get3A_71, %dot_general3A_72 {dimension_numbers = #tpu.dot_dimension_numbers<[1], [0], [0], [1], [0, 0, 1, 1], [], []>, transpose_lhs_hint = false} : vector<2048x265xf32>, vector<265x100xf32>, vector<2048x100xf32> -> vector<2048x100xf32>
    %get3A_74 = arith.constant 0 : index
    %get3A_75 = arith.constant 0 : index
    %get3A_76 = vector.load %arg8[%get3A_74, %get3A_75] : memref<1x100xf32, #tpu.memory_space<vmem>>, vector<1x100xf32>
    %add3A_77 = vector.broadcast %get3A_76 : vector<1x100xf32> to vector<2048x100xf32>
    %add3A_78 = arith.addf %dot_general3A_73, %add3A_77 : vector<2048x100xf32>
    %get3A_79 = arith.constant 0 : index
    %get3A_80 = arith.constant 0 : index
    %get3A_81 = vector.load %arg9[%get3A_79, %get3A_80] : memref<33x16xf32, #tpu.memory_space<vmem>>, vector<33x16xf32>
    %dot_general3A_82 = arith.constant dense<0.000000e+00> : vector<2048x16xf32>
    %dot_general3A_83 = tpu.matmul %dot_general3A_55, %get3A_81, %dot_general3A_82 {dimension_numbers = #tpu.dot_dimension_numbers<[1], [0], [0], [1], [0, 0, 1, 1], [], []>, transpose_lhs_hint = false} : vector<2048x33xf32>, vector<33x16xf32>, vector<2048x16xf32> -> vector<2048x16xf32>
    %dot_general3A_84 = arith.constant dense<0.000000e+00> : vector<2048x16xf32>
    %dot_general3A_85 = tpu.matmul %dot_general3A_57, %get3A_81, %dot_general3A_84 {dimension_numbers = #tpu.dot_dimension_numbers<[1], [0], [0], [1], [0, 0, 1, 1], [], []>, transpose_lhs_hint = false} : vector<2048x33xf32>, vector<33x16xf32>, vector<2048x16xf32> -> vector<2048x16xf32>
    %dot_general3A_86 = arith.constant dense<0.000000e+00> : vector<2048x16xf32>
    %dot_general3A_87 = tpu.matmul %dot_general3A_59, %get3A_81, %dot_general3A_86 {dimension_numbers = #tpu.dot_dimension_numbers<[1], [0], [0], [1], [0, 0, 1, 1], [], []>, transpose_lhs_hint = false} : vector<2048x33xf32>, vector<33x16xf32>, vector<2048x16xf32> -> vector<2048x16xf32>
    %get3A_88 = arith.constant 0 : index
    %get3A_89 = arith.constant 0 : index
    %get3A_90 = vector.load %arg10[%get3A_88, %get3A_89] : memref<100x16xf32, #tpu.memory_space<vmem>>, vector<100x16xf32>
    %dot_general3A_91 = arith.constant dense<0.000000e+00> : vector<2048x16xf32>
    %dot_general3A_92 = tpu.matmul %add3A_78, %get3A_90, %dot_general3A_91 {dimension_numbers = #tpu.dot_dimension_numbers<[1], [0], [0], [1], [0, 0, 1, 1], [], []>, transpose_lhs_hint = false} : vector<2048x100xf32>, vector<100x16xf32>, vector<2048x16xf32> -> vector<2048x16xf32>
    %get3A_93 = arith.constant 0 : index
    %get3A_94 = arith.constant 0 : index
    %get3A_95 = vector.load %arg11[%get3A_93, %get3A_94] : memref<1x16xf32, #tpu.memory_space<vmem>>, vector<1x16xf32>
    %add3A_96 = vector.broadcast %get3A_95 : vector<1x16xf32> to vector<2048x16xf32>
    %add3A_97 = arith.addf %dot_general3A_92, %add3A_96 : vector<2048x16xf32>
    %abs3A = math.absf %add3A_97 : vector<2048x16xf32>
    %neg3A = arith.constant 0.000000e+00 : f32
    %neg3A_98 = vector.broadcast %neg3A : f32 to vector<2048x16xf32>
    %neg3A_99 = arith.subf %neg3A_98, %abs3A : vector<2048x16xf32>
    %exp3A = math.exp %neg3A_99 : vector<2048x16xf32>
    %ge3A = arith.constant 0.000000e+00 : f32
    %ge3A_100 = vector.broadcast %ge3A : f32 to vector<2048x16xf32>
    %ge3A_101 = arith.cmpf oge, %add3A_97, %ge3A_100 : vector<2048x16xf32>
    %add3A_102 = arith.constant 1.000000e+00 : f32
    %add3A_103 = vector.broadcast %add3A_102 : f32 to vector<2048x16xf32>
    %add3A_104 = arith.addf %add3A_103, %exp3A : vector<2048x16xf32>
    %div3A = arith.constant 1.000000e+00 : f32
    %div3A_105 = vector.broadcast %div3A : f32 to vector<2048x16xf32>
    %div3A_106 = arith.divf %div3A_105, %add3A_104 : vector<2048x16xf32>
    %add3A_107 = arith.constant 1.000000e+00 : f32
    %add3A_108 = vector.broadcast %add3A_107 : f32 to vector<2048x16xf32>
    %add3A_109 = arith.addf %add3A_108, %exp3A : vector<2048x16xf32>
    %div3A_110 = arith.divf %exp3A, %add3A_109 : vector<2048x16xf32>
    %select_n3A = arith.select %ge3A_101, %div3A_106, %div3A_110 : vector<2048x16xi1>, vector<2048x16xf32>
    %max3A = arith.constant 0.000000e+00 : f32
    %max3A_111 = vector.broadcast %max3A : f32 to vector<2048x100xf32>
    %max3A_112 = arith.maximumf %add3A_78, %max3A_111 : vector<2048x100xf32>
    %mul3A_113 = arith.mulf %dot_general3A_83, %select_n3A : vector<2048x16xf32>
    %mul3A_114 = arith.mulf %dot_general3A_85, %select_n3A : vector<2048x16xf32>
    %mul3A_115 = arith.mulf %dot_general3A_87, %select_n3A : vector<2048x16xf32>
    %get3A_116 = arith.constant 0 : index
    %get3A_117 = arith.constant 0 : index
    %get3A_118 = vector.load %arg12[%get3A_116, %get3A_117] : memref<16x16xf32, #tpu.memory_space<vmem>>, vector<16x16xf32>
    %dot_general3A_119 = arith.constant dense<0.000000e+00> : vector<2048x16xf32>
    %dot_general3A_120 = tpu.matmul %mul3A_113, %get3A_118, %dot_general3A_119 {dimension_numbers = #tpu.dot_dimension_numbers<[1], [0], [0], [1], [0, 0, 1, 1], [], []>, transpose_lhs_hint = false} : vector<2048x16xf32>, vector<16x16xf32>, vector<2048x16xf32> -> vector<2048x16xf32>
    %dot_general3A_121 = arith.constant dense<0.000000e+00> : vector<2048x16xf32>
    %dot_general3A_122 = tpu.matmul %mul3A_114, %get3A_118, %dot_general3A_121 {dimension_numbers = #tpu.dot_dimension_numbers<[1], [0], [0], [1], [0, 0, 1, 1], [], []>, transpose_lhs_hint = false} : vector<2048x16xf32>, vector<16x16xf32>, vector<2048x16xf32> -> vector<2048x16xf32>
    %dot_general3A_123 = arith.constant dense<0.000000e+00> : vector<2048x16xf32>
    %dot_general3A_124 = tpu.matmul %mul3A_115, %get3A_118, %dot_general3A_123 {dimension_numbers = #tpu.dot_dimension_numbers<[1], [0], [0], [1], [0, 0, 1, 1], [], []>, transpose_lhs_hint = false} : vector<2048x16xf32>, vector<16x16xf32>, vector<2048x16xf32> -> vector<2048x16xf32>
    %mul3A_125 = arith.mulf %dot_general3A_120, %dot_general3A_120 : vector<2048x16xf32>
    %mul3A_126 = arith.mulf %dot_general3A_122, %dot_general3A_122 : vector<2048x16xf32>
    %add3A_127 = arith.addf %mul3A_125, %mul3A_126 : vector<2048x16xf32>
    %mul3A_128 = arith.mulf %dot_general3A_124, %dot_general3A_124 : vector<2048x16xf32>
    %add3A_129 = arith.addf %add3A_127, %mul3A_128 : vector<2048x16xf32>
    %add3A_130 = arith.constant 9.99999993E-9 : f32
    %add3A_131 = vector.broadcast %add3A_130 : f32 to vector<2048x16xf32>
    %add3A_132 = arith.addf %add3A_129, %add3A_131 : vector<2048x16xf32>
    %sqrt3A_133 = math.sqrt %add3A_132 : vector<2048x16xf32>
    %concatenate3A_134 = tpu.concatenate %max3A_112, %sqrt3A_133 in 1 : vector<2048x100xf32>, vector<2048x16xf32> -> vector<2048x116xf32>
    %get3A_135 = arith.constant 0 : index
    %get3A_136 = arith.constant 0 : index
    %get3A_137 = vector.load %arg13[%get3A_135, %get3A_136] : memref<116x100xf32, #tpu.memory_space<vmem>>, vector<116x100xf32>
    %dot_general3A_138 = arith.constant dense<0.000000e+00> : vector<2048x100xf32>
    %dot_general3A_139 = tpu.matmul %concatenate3A_134, %get3A_137, %dot_general3A_138 {dimension_numbers = #tpu.dot_dimension_numbers<[1], [0], [0], [1], [0, 0, 1, 1], [], []>, transpose_lhs_hint = false} : vector<2048x116xf32>, vector<116x100xf32>, vector<2048x100xf32> -> vector<2048x100xf32>
    %get3A_140 = arith.constant 0 : index
    %get3A_141 = arith.constant 0 : index
    %get3A_142 = vector.load %arg14[%get3A_140, %get3A_141] : memref<1x100xf32, #tpu.memory_space<vmem>>, vector<1x100xf32>
    %add3A_143 = vector.broadcast %get3A_142 : vector<1x100xf32> to vector<2048x100xf32>
    %add3A_144 = arith.addf %dot_general3A_139, %add3A_143 : vector<2048x100xf32>
    %get3A_145 = arith.constant 0 : index
    %get3A_146 = arith.constant 0 : index
    %get3A_147 = vector.load %arg15[%get3A_145, %get3A_146] : memref<16x16xf32, #tpu.memory_space<vmem>>, vector<16x16xf32>
    %dot_general3A_148 = arith.constant dense<0.000000e+00> : vector<2048x16xf32>
    %dot_general3A_149 = tpu.matmul %dot_general3A_120, %get3A_147, %dot_general3A_148 {dimension_numbers = #tpu.dot_dimension_numbers<[1], [0], [0], [1], [0, 0, 1, 1], [], []>, transpose_lhs_hint = false} : vector<2048x16xf32>, vector<16x16xf32>, vector<2048x16xf32> -> vector<2048x16xf32>
    %dot_general3A_150 = arith.constant dense<0.000000e+00> : vector<2048x16xf32>
    %dot_general3A_151 = tpu.matmul %dot_general3A_122, %get3A_147, %dot_general3A_150 {dimension_numbers = #tpu.dot_dimension_numbers<[1], [0], [0], [1], [0, 0, 1, 1], [], []>, transpose_lhs_hint = false} : vector<2048x16xf32>, vector<16x16xf32>, vector<2048x16xf32> -> vector<2048x16xf32>
    %dot_general3A_152 = arith.constant dense<0.000000e+00> : vector<2048x16xf32>
    %dot_general3A_153 = tpu.matmul %dot_general3A_124, %get3A_147, %dot_general3A_152 {dimension_numbers = #tpu.dot_dimension_numbers<[1], [0], [0], [1], [0, 0, 1, 1], [], []>, transpose_lhs_hint = false} : vector<2048x16xf32>, vector<16x16xf32>, vector<2048x16xf32> -> vector<2048x16xf32>
    %get3A_154 = arith.constant 0 : index
    %get3A_155 = arith.constant 0 : index
    %get3A_156 = vector.load %arg16[%get3A_154, %get3A_155] : memref<100x16xf32, #tpu.memory_space<vmem>>, vector<100x16xf32>
    %dot_general3A_157 = arith.constant dense<0.000000e+00> : vector<2048x16xf32>
    %dot_general3A_158 = tpu.matmul %add3A_144, %get3A_156, %dot_general3A_157 {dimension_numbers = #tpu.dot_dimension_numbers<[1], [0], [0], [1], [0, 0, 1, 1], [], []>, transpose_lhs_hint = false} : vector<2048x100xf32>, vector<100x16xf32>, vector<2048x16xf32> -> vector<2048x16xf32>
    %get3A_159 = arith.constant 0 : index
    %get3A_160 = arith.constant 0 : index
    %get3A_161 = vector.load %arg17[%get3A_159, %get3A_160] : memref<1x16xf32, #tpu.memory_space<vmem>>, vector<1x16xf32>
    %add3A_162 = vector.broadcast %get3A_161 : vector<1x16xf32> to vector<2048x16xf32>
    %add3A_163 = arith.addf %dot_general3A_158, %add3A_162 : vector<2048x16xf32>
    %abs3A_164 = math.absf %add3A_163 : vector<2048x16xf32>
    %neg3A_165 = arith.constant 0.000000e+00 : f32
    %neg3A_166 = vector.broadcast %neg3A_165 : f32 to vector<2048x16xf32>
    %neg3A_167 = arith.subf %neg3A_166, %abs3A_164 : vector<2048x16xf32>
    %exp3A_168 = math.exp %neg3A_167 : vector<2048x16xf32>
    %ge3A_169 = arith.constant 0.000000e+00 : f32
    %ge3A_170 = vector.broadcast %ge3A_169 : f32 to vector<2048x16xf32>
    %ge3A_171 = arith.cmpf oge, %add3A_163, %ge3A_170 : vector<2048x16xf32>
    %add3A_172 = arith.constant 1.000000e+00 : f32
    %add3A_173 = vector.broadcast %add3A_172 : f32 to vector<2048x16xf32>
    %add3A_174 = arith.addf %add3A_173, %exp3A_168 : vector<2048x16xf32>
    %div3A_175 = arith.constant 1.000000e+00 : f32
    %div3A_176 = vector.broadcast %div3A_175 : f32 to vector<2048x16xf32>
    %div3A_177 = arith.divf %div3A_176, %add3A_174 : vector<2048x16xf32>
    %add3A_178 = arith.constant 1.000000e+00 : f32
    %add3A_179 = vector.broadcast %add3A_178 : f32 to vector<2048x16xf32>
    %add3A_180 = arith.addf %add3A_179, %exp3A_168 : vector<2048x16xf32>
    %div3A_181 = arith.divf %exp3A_168, %add3A_180 : vector<2048x16xf32>
    %select_n3A_182 = arith.select %ge3A_171, %div3A_177, %div3A_181 : vector<2048x16xi1>, vector<2048x16xf32>
    %max3A_183 = arith.constant 0.000000e+00 : f32
    %max3A_184 = vector.broadcast %max3A_183 : f32 to vector<2048x100xf32>
    %max3A_185 = arith.maximumf %add3A_144, %max3A_184 : vector<2048x100xf32>
    %mul3A_186 = arith.mulf %dot_general3A_149, %select_n3A_182 : vector<2048x16xf32>
    %mul3A_187 = arith.mulf %dot_general3A_151, %select_n3A_182 : vector<2048x16xf32>
    %mul3A_188 = arith.mulf %dot_general3A_153, %select_n3A_182 : vector<2048x16xf32>
    %get3A_189 = arith.constant 0 : index
    %get3A_190 = arith.constant 0 : index
    %get3A_191 = vector.load %arg18[%get3A_189, %get3A_190] : memref<16x16xf32, #tpu.memory_space<vmem>>, vector<16x16xf32>
    %dot_general3A_192 = arith.constant dense<0.000000e+00> : vector<2048x16xf32>
    %dot_general3A_193 = tpu.matmul %mul3A_186, %get3A_191, %dot_general3A_192 {dimension_numbers = #tpu.dot_dimension_numbers<[1], [0], [0], [1], [0, 0, 1, 1], [], []>, transpose_lhs_hint = false} : vector<2048x16xf32>, vector<16x16xf32>, vector<2048x16xf32> -> vector<2048x16xf32>
    %dot_general3A_194 = arith.constant dense<0.000000e+00> : vector<2048x16xf32>
    %dot_general3A_195 = tpu.matmul %mul3A_187, %get3A_191, %dot_general3A_194 {dimension_numbers = #tpu.dot_dimension_numbers<[1], [0], [0], [1], [0, 0, 1, 1], [], []>, transpose_lhs_hint = false} : vector<2048x16xf32>, vector<16x16xf32>, vector<2048x16xf32> -> vector<2048x16xf32>
    %dot_general3A_196 = arith.constant dense<0.000000e+00> : vector<2048x16xf32>
    %dot_general3A_197 = tpu.matmul %mul3A_188, %get3A_191, %dot_general3A_196 {dimension_numbers = #tpu.dot_dimension_numbers<[1], [0], [0], [1], [0, 0, 1, 1], [], []>, transpose_lhs_hint = false} : vector<2048x16xf32>, vector<16x16xf32>, vector<2048x16xf32> -> vector<2048x16xf32>
    %mul3A_198 = arith.mulf %dot_general3A_193, %dot_general3A_193 : vector<2048x16xf32>
    %mul3A_199 = arith.mulf %dot_general3A_195, %dot_general3A_195 : vector<2048x16xf32>
    %add3A_200 = arith.addf %mul3A_198, %mul3A_199 : vector<2048x16xf32>
    %mul3A_201 = arith.mulf %dot_general3A_197, %dot_general3A_197 : vector<2048x16xf32>
    %add3A_202 = arith.addf %add3A_200, %mul3A_201 : vector<2048x16xf32>
    %add3A_203 = arith.constant 9.99999993E-9 : f32
    %add3A_204 = vector.broadcast %add3A_203 : f32 to vector<2048x16xf32>
    %add3A_205 = arith.addf %add3A_202, %add3A_204 : vector<2048x16xf32>
    %sqrt3A_206 = math.sqrt %add3A_205 : vector<2048x16xf32>
    %concatenate3A_207 = tpu.concatenate %max3A_185, %sqrt3A_206 in 1 : vector<2048x100xf32>, vector<2048x16xf32> -> vector<2048x116xf32>
    %get3A_208 = arith.constant 0 : index
    %get3A_209 = arith.constant 0 : index
    %get3A_210 = vector.load %arg19[%get3A_208, %get3A_209] : memref<116x100xf32, #tpu.memory_space<vmem>>, vector<116x100xf32>
    %dot_general3A_211 = arith.constant dense<0.000000e+00> : vector<2048x100xf32>
    %dot_general3A_212 = tpu.matmul %concatenate3A_207, %get3A_210, %dot_general3A_211 {dimension_numbers = #tpu.dot_dimension_numbers<[1], [0], [0], [1], [0, 0, 1, 1], [], []>, transpose_lhs_hint = false} : vector<2048x116xf32>, vector<116x100xf32>, vector<2048x100xf32> -> vector<2048x100xf32>
    %get3A_213 = arith.constant 0 : index
    %get3A_214 = arith.constant 0 : index
    %get3A_215 = vector.load %arg20[%get3A_213, %get3A_214] : memref<1x100xf32, #tpu.memory_space<vmem>>, vector<1x100xf32>
    %add3A_216 = vector.broadcast %get3A_215 : vector<1x100xf32> to vector<2048x100xf32>
    %add3A_217 = arith.addf %dot_general3A_212, %add3A_216 : vector<2048x100xf32>
    %get3A_218 = arith.constant 0 : index
    %get3A_219 = arith.constant 0 : index
    %get3A_220 = vector.load %arg21[%get3A_218, %get3A_219] : memref<16x16xf32, #tpu.memory_space<vmem>>, vector<16x16xf32>
    %dot_general3A_221 = arith.constant dense<0.000000e+00> : vector<2048x16xf32>
    %dot_general3A_222 = tpu.matmul %dot_general3A_193, %get3A_220, %dot_general3A_221 {dimension_numbers = #tpu.dot_dimension_numbers<[1], [0], [0], [1], [0, 0, 1, 1], [], []>, transpose_lhs_hint = false} : vector<2048x16xf32>, vector<16x16xf32>, vector<2048x16xf32> -> vector<2048x16xf32>
    %dot_general3A_223 = arith.constant dense<0.000000e+00> : vector<2048x16xf32>
    %dot_general3A_224 = tpu.matmul %dot_general3A_195, %get3A_220, %dot_general3A_223 {dimension_numbers = #tpu.dot_dimension_numbers<[1], [0], [0], [1], [0, 0, 1, 1], [], []>, transpose_lhs_hint = false} : vector<2048x16xf32>, vector<16x16xf32>, vector<2048x16xf32> -> vector<2048x16xf32>
    %dot_general3A_225 = arith.constant dense<0.000000e+00> : vector<2048x16xf32>
    %dot_general3A_226 = tpu.matmul %dot_general3A_197, %get3A_220, %dot_general3A_225 {dimension_numbers = #tpu.dot_dimension_numbers<[1], [0], [0], [1], [0, 0, 1, 1], [], []>, transpose_lhs_hint = false} : vector<2048x16xf32>, vector<16x16xf32>, vector<2048x16xf32> -> vector<2048x16xf32>
    %get3A_227 = arith.constant 0 : index
    %get3A_228 = arith.constant 0 : index
    %get3A_229 = vector.load %arg22[%get3A_227, %get3A_228] : memref<100x16xf32, #tpu.memory_space<vmem>>, vector<100x16xf32>
    %dot_general3A_230 = arith.constant dense<0.000000e+00> : vector<2048x16xf32>
    %dot_general3A_231 = tpu.matmul %add3A_217, %get3A_229, %dot_general3A_230 {dimension_numbers = #tpu.dot_dimension_numbers<[1], [0], [0], [1], [0, 0, 1, 1], [], []>, transpose_lhs_hint = false} : vector<2048x100xf32>, vector<100x16xf32>, vector<2048x16xf32> -> vector<2048x16xf32>
    %get3A_232 = arith.constant 0 : index
    %get3A_233 = arith.constant 0 : index
    %get3A_234 = vector.load %arg23[%get3A_232, %get3A_233] : memref<1x16xf32, #tpu.memory_space<vmem>>, vector<1x16xf32>
    %add3A_235 = vector.broadcast %get3A_234 : vector<1x16xf32> to vector<2048x16xf32>
    %add3A_236 = arith.addf %dot_general3A_231, %add3A_235 : vector<2048x16xf32>
    %abs3A_237 = math.absf %add3A_236 : vector<2048x16xf32>
    %neg3A_238 = arith.constant 0.000000e+00 : f32
    %neg3A_239 = vector.broadcast %neg3A_238 : f32 to vector<2048x16xf32>
    %neg3A_240 = arith.subf %neg3A_239, %abs3A_237 : vector<2048x16xf32>
    %exp3A_241 = math.exp %neg3A_240 : vector<2048x16xf32>
    %ge3A_242 = arith.constant 0.000000e+00 : f32
    %ge3A_243 = vector.broadcast %ge3A_242 : f32 to vector<2048x16xf32>
    %ge3A_244 = arith.cmpf oge, %add3A_236, %ge3A_243 : vector<2048x16xf32>
    %add3A_245 = arith.constant 1.000000e+00 : f32
    %add3A_246 = vector.broadcast %add3A_245 : f32 to vector<2048x16xf32>
    %add3A_247 = arith.addf %add3A_246, %exp3A_241 : vector<2048x16xf32>
    %div3A_248 = arith.constant 1.000000e+00 : f32
    %div3A_249 = vector.broadcast %div3A_248 : f32 to vector<2048x16xf32>
    %div3A_250 = arith.divf %div3A_249, %add3A_247 : vector<2048x16xf32>
    %add3A_251 = arith.constant 1.000000e+00 : f32
    %add3A_252 = vector.broadcast %add3A_251 : f32 to vector<2048x16xf32>
    %add3A_253 = arith.addf %add3A_252, %exp3A_241 : vector<2048x16xf32>
    %div3A_254 = arith.divf %exp3A_241, %add3A_253 : vector<2048x16xf32>
    %select_n3A_255 = arith.select %ge3A_244, %div3A_250, %div3A_254 : vector<2048x16xi1>, vector<2048x16xf32>
    %mul3A_256 = arith.mulf %dot_general3A_222, %select_n3A_255 : vector<2048x16xf32>
    %mul3A_257 = arith.mulf %dot_general3A_224, %select_n3A_255 : vector<2048x16xf32>
    %mul3A_258 = arith.mulf %dot_general3A_226, %select_n3A_255 : vector<2048x16xf32>
    %concatenate3A_259 = tpu.concatenate %add3A_217, %mul3A_256, %mul3A_257, %mul3A_258 in 1 : vector<2048x100xf32>, vector<2048x16xf32>, vector<2048x16xf32>, vector<2048x16xf32> -> vector<2048x148xf32>
    %reshape3A_260 = vector.shape_cast %concatenate3A_259 : vector<2048x148xf32> to vector<128x16x148xf32>
    %reduce_sum3A = arith.constant dense<0.000000e+00> : vector<128x148xf32>
    %reduce_sum3A_261 = vector.multi_reduction <add>, %reshape3A_260, %reduce_sum3A [1] : vector<128x16x148xf32> to vector<128x148xf32>
    %mul3A_262 = arith.constant 6.250000e-02 : f32
    %mul3A_263 = vector.broadcast %mul3A_262 : f32 to vector<128x148xf32>
    %mul3A_264 = arith.mulf %reduce_sum3A_261, %mul3A_263 : vector<128x148xf32>
    %add3A_265 = arith.addf %get3A_25, %mul3A_264 : vector<128x148xf32>
    %slice3A_266 = vector.extract_strided_slice %add3A_265 {offsets = [0, 0], sizes = [128, 100], strides = [1, 1]} : vector<128x148xf32> to vector<128x100xf32>
    %slice3A_267 = vector.extract_strided_slice %add3A_265 {offsets = [0, 100], sizes = [128, 16], strides = [1, 1]} : vector<128x148xf32> to vector<128x16xf32>
    %slice3A_268 = vector.extract_strided_slice %add3A_265 {offsets = [0, 116], sizes = [128, 16], strides = [1, 1]} : vector<128x148xf32> to vector<128x16xf32>
    %slice3A_269 = vector.extract_strided_slice %add3A_265 {offsets = [0, 132], sizes = [128, 16], strides = [1, 1]} : vector<128x148xf32> to vector<128x16xf32>
    %reduce_sum3A_270 = arith.constant dense<0.000000e+00> : vector<128xf32>
    %reduce_sum3A_271 = vector.multi_reduction <add>, %slice3A_266, %reduce_sum3A_270 [1] : vector<128x100xf32> to vector<128xf32>
    %broadcast_in_dim3A_272 = vector.shape_cast %reduce_sum3A_271 : vector<128xf32> to vector<128x1xf32>
    %div3A_273 = arith.constant 1.000000e+02 : f32
    %div3A_274 = vector.broadcast %div3A_273 : f32 to vector<128x1xf32>
    %div3A_275 = arith.divf %broadcast_in_dim3A_272, %div3A_274 : vector<128x1xf32>
    %sub3A_276 = vector.broadcast %div3A_275 : vector<128x1xf32> to vector<128x100xf32>
    %sub3A_277 = arith.subf %slice3A_266, %sub3A_276 : vector<128x100xf32>
    %sub3A_278 = vector.broadcast %div3A_275 : vector<128x1xf32> to vector<128x100xf32>
    %sub3A_279 = arith.subf %slice3A_266, %sub3A_278 : vector<128x100xf32>
    %mul3A_280 = arith.mulf %sub3A_277, %sub3A_279 : vector<128x100xf32>
    %reduce_sum3A_281 = arith.constant dense<0.000000e+00> : vector<128xf32>
    %reduce_sum3A_282 = vector.multi_reduction <add>, %mul3A_280, %reduce_sum3A_281 [1] : vector<128x100xf32> to vector<128xf32>
    %broadcast_in_dim3A_283 = vector.shape_cast %reduce_sum3A_282 : vector<128xf32> to vector<128x1xf32>
    %div3A_284 = arith.constant 1.000000e+02 : f32
    %div3A_285 = vector.broadcast %div3A_284 : f32 to vector<128x1xf32>
    %div3A_286 = arith.divf %broadcast_in_dim3A_283, %div3A_285 : vector<128x1xf32>
    %sub3A_287 = vector.broadcast %div3A_275 : vector<128x1xf32> to vector<128x100xf32>
    %sub3A_288 = arith.subf %slice3A_266, %sub3A_287 : vector<128x100xf32>
    %add3A_289 = arith.constant 9.99999974E-5 : f32
    %add3A_290 = vector.broadcast %add3A_289 : f32 to vector<128x1xf32>
    %add3A_291 = arith.addf %div3A_286, %add3A_290 : vector<128x1xf32>
    %sqrt3A_292 = math.sqrt %add3A_291 : vector<128x1xf32>
    %div3A_293 = vector.broadcast %sqrt3A_292 : vector<128x1xf32> to vector<128x100xf32>
    %div3A_294 = arith.divf %sub3A_288, %div3A_293 : vector<128x100xf32>
    %mul3A_295 = arith.mulf %slice3A_267, %slice3A_267 : vector<128x16xf32>
    %mul3A_296 = arith.mulf %slice3A_268, %slice3A_268 : vector<128x16xf32>
    %add3A_297 = arith.addf %mul3A_295, %mul3A_296 : vector<128x16xf32>
    %mul3A_298 = arith.mulf %slice3A_269, %slice3A_269 : vector<128x16xf32>
    %add3A_299 = arith.addf %add3A_297, %mul3A_298 : vector<128x16xf32>
    %reduce_sum3A_300 = arith.constant dense<0.000000e+00> : vector<128xf32>
    %reduce_sum3A_301 = vector.multi_reduction <add>, %add3A_299, %reduce_sum3A_300 [1] : vector<128x16xf32> to vector<128xf32>
    %broadcast_in_dim3A_302 = vector.shape_cast %reduce_sum3A_301 : vector<128xf32> to vector<128x1xf32>
    %div3A_303 = arith.constant 1.600000e+01 : f32
    %div3A_304 = vector.broadcast %div3A_303 : f32 to vector<128x1xf32>
    %div3A_305 = arith.divf %broadcast_in_dim3A_302, %div3A_304 : vector<128x1xf32>
    %add3A_306 = arith.constant 9.99999974E-5 : f32
    %add3A_307 = vector.broadcast %add3A_306 : f32 to vector<128x1xf32>
    %add3A_308 = arith.addf %div3A_305, %add3A_307 : vector<128x1xf32>
    %sqrt3A_309 = math.sqrt %add3A_308 : vector<128x1xf32>
    %div3A_310 = arith.constant 1.000000e+00 : f32
    %div3A_311 = vector.broadcast %div3A_310 : f32 to vector<128x1xf32>
    %div3A_312 = arith.divf %div3A_311, %sqrt3A_309 : vector<128x1xf32>
    %mul3A_313 = vector.broadcast %div3A_312 : vector<128x1xf32> to vector<128x16xf32>
    %mul3A_314 = arith.mulf %slice3A_267, %mul3A_313 : vector<128x16xf32>
    %mul3A_315 = vector.broadcast %div3A_312 : vector<128x1xf32> to vector<128x16xf32>
    %mul3A_316 = arith.mulf %slice3A_268, %mul3A_315 : vector<128x16xf32>
    %mul3A_317 = vector.broadcast %div3A_312 : vector<128x1xf32> to vector<128x16xf32>
    %mul3A_318 = arith.mulf %slice3A_269, %mul3A_317 : vector<128x16xf32>
    %get3A_319 = arith.constant 0 : index
    %get3A_320 = arith.constant 0 : index
    %get3A_321 = vector.load %arg24[%get3A_319, %get3A_320] : memref<16x32xf32, #tpu.memory_space<vmem>>, vector<16x32xf32>
    %dot_general3A_322 = arith.constant dense<0.000000e+00> : vector<128x32xf32>
    %dot_general3A_323 = tpu.matmul %mul3A_314, %get3A_321, %dot_general3A_322 {dimension_numbers = #tpu.dot_dimension_numbers<[1], [0], [0], [1], [0, 0, 1, 1], [], []>, transpose_lhs_hint = false} : vector<128x16xf32>, vector<16x32xf32>, vector<128x32xf32> -> vector<128x32xf32>
    %dot_general3A_324 = arith.constant dense<0.000000e+00> : vector<128x32xf32>
    %dot_general3A_325 = tpu.matmul %mul3A_316, %get3A_321, %dot_general3A_324 {dimension_numbers = #tpu.dot_dimension_numbers<[1], [0], [0], [1], [0, 0, 1, 1], [], []>, transpose_lhs_hint = false} : vector<128x16xf32>, vector<16x32xf32>, vector<128x32xf32> -> vector<128x32xf32>
    %dot_general3A_326 = arith.constant dense<0.000000e+00> : vector<128x32xf32>
    %dot_general3A_327 = tpu.matmul %mul3A_318, %get3A_321, %dot_general3A_326 {dimension_numbers = #tpu.dot_dimension_numbers<[1], [0], [0], [1], [0, 0, 1, 1], [], []>, transpose_lhs_hint = false} : vector<128x16xf32>, vector<16x32xf32>, vector<128x32xf32> -> vector<128x32xf32>
    %mul3A_328 = arith.mulf %dot_general3A_323, %dot_general3A_323 : vector<128x32xf32>
    %mul3A_329 = arith.mulf %dot_general3A_325, %dot_general3A_325 : vector<128x32xf32>
    %add3A_330 = arith.addf %mul3A_328, %mul3A_329 : vector<128x32xf32>
    %mul3A_331 = arith.mulf %dot_general3A_327, %dot_general3A_327 : vector<128x32xf32>
    %add3A_332 = arith.addf %add3A_330, %mul3A_331 : vector<128x32xf32>
    %add3A_333 = arith.constant 9.99999993E-9 : f32
    %add3A_334 = vector.broadcast %add3A_333 : f32 to vector<128x32xf32>
    %add3A_335 = arith.addf %add3A_332, %add3A_334 : vector<128x32xf32>
    %sqrt3A_336 = math.sqrt %add3A_335 : vector<128x32xf32>
    %concatenate3A_337 = tpu.concatenate %div3A_294, %sqrt3A_336 in 1 : vector<128x100xf32>, vector<128x32xf32> -> vector<128x132xf32>
    %get3A_338 = arith.constant 0 : index
    %get3A_339 = arith.constant 0 : index
    %get3A_340 = vector.load %arg25[%get3A_338, %get3A_339] : memref<132x200xf32, #tpu.memory_space<vmem>>, vector<132x200xf32>
    %dot_general3A_341 = arith.constant dense<0.000000e+00> : vector<128x200xf32>
    %dot_general3A_342 = tpu.matmul %concatenate3A_337, %get3A_340, %dot_general3A_341 {dimension_numbers = #tpu.dot_dimension_numbers<[1], [0], [0], [1], [0, 0, 1, 1], [], []>, transpose_lhs_hint = false} : vector<128x132xf32>, vector<132x200xf32>, vector<128x200xf32> -> vector<128x200xf32>
    %get3A_343 = arith.constant 0 : index
    %get3A_344 = arith.constant 0 : index
    %get3A_345 = vector.load %arg26[%get3A_343, %get3A_344] : memref<1x200xf32, #tpu.memory_space<vmem>>, vector<1x200xf32>
    %add3A_346 = vector.broadcast %get3A_345 : vector<1x200xf32> to vector<128x200xf32>
    %add3A_347 = arith.addf %dot_general3A_342, %add3A_346 : vector<128x200xf32>
    %get3A_348 = arith.constant 0 : index
    %get3A_349 = arith.constant 0 : index
    %get3A_350 = vector.load %arg27[%get3A_348, %get3A_349] : memref<32x32xf32, #tpu.memory_space<vmem>>, vector<32x32xf32>
    %dot_general3A_351 = arith.constant dense<0.000000e+00> : vector<128x32xf32>
    %dot_general3A_352 = tpu.matmul %dot_general3A_323, %get3A_350, %dot_general3A_351 {dimension_numbers = #tpu.dot_dimension_numbers<[1], [0], [0], [1], [0, 0, 1, 1], [], []>, transpose_lhs_hint = false} : vector<128x32xf32>, vector<32x32xf32>, vector<128x32xf32> -> vector<128x32xf32>
    %dot_general3A_353 = arith.constant dense<0.000000e+00> : vector<128x32xf32>
    %dot_general3A_354 = tpu.matmul %dot_general3A_325, %get3A_350, %dot_general3A_353 {dimension_numbers = #tpu.dot_dimension_numbers<[1], [0], [0], [1], [0, 0, 1, 1], [], []>, transpose_lhs_hint = false} : vector<128x32xf32>, vector<32x32xf32>, vector<128x32xf32> -> vector<128x32xf32>
    %dot_general3A_355 = arith.constant dense<0.000000e+00> : vector<128x32xf32>
    %dot_general3A_356 = tpu.matmul %dot_general3A_327, %get3A_350, %dot_general3A_355 {dimension_numbers = #tpu.dot_dimension_numbers<[1], [0], [0], [1], [0, 0, 1, 1], [], []>, transpose_lhs_hint = false} : vector<128x32xf32>, vector<32x32xf32>, vector<128x32xf32> -> vector<128x32xf32>
    %get3A_357 = arith.constant 0 : index
    %get3A_358 = arith.constant 0 : index
    %get3A_359 = vector.load %arg28[%get3A_357, %get3A_358] : memref<200x32xf32, #tpu.memory_space<vmem>>, vector<200x32xf32>
    %dot_general3A_360 = arith.constant dense<0.000000e+00> : vector<128x32xf32>
    %dot_general3A_361 = tpu.matmul %add3A_347, %get3A_359, %dot_general3A_360 {dimension_numbers = #tpu.dot_dimension_numbers<[1], [0], [0], [1], [0, 0, 1, 1], [], []>, transpose_lhs_hint = false} : vector<128x200xf32>, vector<200x32xf32>, vector<128x32xf32> -> vector<128x32xf32>
    %get3A_362 = arith.constant 0 : index
    %get3A_363 = arith.constant 0 : index
    %get3A_364 = vector.load %arg29[%get3A_362, %get3A_363] : memref<1x32xf32, #tpu.memory_space<vmem>>, vector<1x32xf32>
    %add3A_365 = vector.broadcast %get3A_364 : vector<1x32xf32> to vector<128x32xf32>
    %add3A_366 = arith.addf %dot_general3A_361, %add3A_365 : vector<128x32xf32>
    %abs3A_367 = math.absf %add3A_366 : vector<128x32xf32>
    %neg3A_368 = arith.constant 0.000000e+00 : f32
    %neg3A_369 = vector.broadcast %neg3A_368 : f32 to vector<128x32xf32>
    %neg3A_370 = arith.subf %neg3A_369, %abs3A_367 : vector<128x32xf32>
    %exp3A_371 = math.exp %neg3A_370 : vector<128x32xf32>
    %ge3A_372 = arith.constant 0.000000e+00 : f32
    %ge3A_373 = vector.broadcast %ge3A_372 : f32 to vector<128x32xf32>
    %ge3A_374 = arith.cmpf oge, %add3A_366, %ge3A_373 : vector<128x32xf32>
    %add3A_375 = arith.constant 1.000000e+00 : f32
    %add3A_376 = vector.broadcast %add3A_375 : f32 to vector<128x32xf32>
    %add3A_377 = arith.addf %add3A_376, %exp3A_371 : vector<128x32xf32>
    %div3A_378 = arith.constant 1.000000e+00 : f32
    %div3A_379 = vector.broadcast %div3A_378 : f32 to vector<128x32xf32>
    %div3A_380 = arith.divf %div3A_379, %add3A_377 : vector<128x32xf32>
    %add3A_381 = arith.constant 1.000000e+00 : f32
    %add3A_382 = vector.broadcast %add3A_381 : f32 to vector<128x32xf32>
    %add3A_383 = arith.addf %add3A_382, %exp3A_371 : vector<128x32xf32>
    %div3A_384 = arith.divf %exp3A_371, %add3A_383 : vector<128x32xf32>
    %select_n3A_385 = arith.select %ge3A_374, %div3A_380, %div3A_384 : vector<128x32xi1>, vector<128x32xf32>
    %max3A_386 = arith.constant 0.000000e+00 : f32
    %max3A_387 = vector.broadcast %max3A_386 : f32 to vector<128x200xf32>
    %max3A_388 = arith.maximumf %add3A_347, %max3A_387 : vector<128x200xf32>
    %mul3A_389 = arith.mulf %dot_general3A_352, %select_n3A_385 : vector<128x32xf32>
    %mul3A_390 = arith.mulf %dot_general3A_354, %select_n3A_385 : vector<128x32xf32>
    %mul3A_391 = arith.mulf %dot_general3A_356, %select_n3A_385 : vector<128x32xf32>
    %get3A_392 = arith.constant 0 : index
    %get3A_393 = arith.constant 0 : index
    %get3A_394 = vector.load %arg30[%get3A_392, %get3A_393] : memref<32x32xf32, #tpu.memory_space<vmem>>, vector<32x32xf32>
    %dot_general3A_395 = arith.constant dense<0.000000e+00> : vector<128x32xf32>
    %dot_general3A_396 = tpu.matmul %mul3A_389, %get3A_394, %dot_general3A_395 {dimension_numbers = #tpu.dot_dimension_numbers<[1], [0], [0], [1], [0, 0, 1, 1], [], []>, transpose_lhs_hint = false} : vector<128x32xf32>, vector<32x32xf32>, vector<128x32xf32> -> vector<128x32xf32>
    %dot_general3A_397 = arith.constant dense<0.000000e+00> : vector<128x32xf32>
    %dot_general3A_398 = tpu.matmul %mul3A_390, %get3A_394, %dot_general3A_397 {dimension_numbers = #tpu.dot_dimension_numbers<[1], [0], [0], [1], [0, 0, 1, 1], [], []>, transpose_lhs_hint = false} : vector<128x32xf32>, vector<32x32xf32>, vector<128x32xf32> -> vector<128x32xf32>
    %dot_general3A_399 = arith.constant dense<0.000000e+00> : vector<128x32xf32>
    %dot_general3A_400 = tpu.matmul %mul3A_391, %get3A_394, %dot_general3A_399 {dimension_numbers = #tpu.dot_dimension_numbers<[1], [0], [0], [1], [0, 0, 1, 1], [], []>, transpose_lhs_hint = false} : vector<128x32xf32>, vector<32x32xf32>, vector<128x32xf32> -> vector<128x32xf32>
    %mul3A_401 = arith.mulf %dot_general3A_396, %dot_general3A_396 : vector<128x32xf32>
    %mul3A_402 = arith.mulf %dot_general3A_398, %dot_general3A_398 : vector<128x32xf32>
    %add3A_403 = arith.addf %mul3A_401, %mul3A_402 : vector<128x32xf32>
    %mul3A_404 = arith.mulf %dot_general3A_400, %dot_general3A_400 : vector<128x32xf32>
    %add3A_405 = arith.addf %add3A_403, %mul3A_404 : vector<128x32xf32>
    %add3A_406 = arith.constant 9.99999993E-9 : f32
    %add3A_407 = vector.broadcast %add3A_406 : f32 to vector<128x32xf32>
    %add3A_408 = arith.addf %add3A_405, %add3A_407 : vector<128x32xf32>
    %sqrt3A_409 = math.sqrt %add3A_408 : vector<128x32xf32>
    %concatenate3A_410 = tpu.concatenate %max3A_388, %sqrt3A_409 in 1 : vector<128x200xf32>, vector<128x32xf32> -> vector<128x232xf32>
    %get3A_411 = arith.constant 0 : index
    %get3A_412 = arith.constant 0 : index
    %get3A_413 = vector.load %arg31[%get3A_411, %get3A_412] : memref<232x100xf32, #tpu.memory_space<vmem>>, vector<232x100xf32>
    %dot_general3A_414 = arith.constant dense<0.000000e+00> : vector<128x100xf32>
    %dot_general3A_415 = tpu.matmul %concatenate3A_410, %get3A_413, %dot_general3A_414 {dimension_numbers = #tpu.dot_dimension_numbers<[1], [0], [0], [1], [0, 0, 1, 1], [], []>, transpose_lhs_hint = false} : vector<128x232xf32>, vector<232x100xf32>, vector<128x100xf32> -> vector<128x100xf32>
    %get3A_416 = arith.constant 0 : index
    %get3A_417 = arith.constant 0 : index
    %get3A_418 = vector.load %arg32[%get3A_416, %get3A_417] : memref<1x100xf32, #tpu.memory_space<vmem>>, vector<1x100xf32>
    %add3A_419 = vector.broadcast %get3A_418 : vector<1x100xf32> to vector<128x100xf32>
    %add3A_420 = arith.addf %dot_general3A_415, %add3A_419 : vector<128x100xf32>
    %get3A_421 = arith.constant 0 : index
    %get3A_422 = arith.constant 0 : index
    %get3A_423 = vector.load %arg33[%get3A_421, %get3A_422] : memref<32x16xf32, #tpu.memory_space<vmem>>, vector<32x16xf32>
    %dot_general3A_424 = arith.constant dense<0.000000e+00> : vector<128x16xf32>
    %dot_general3A_425 = tpu.matmul %dot_general3A_396, %get3A_423, %dot_general3A_424 {dimension_numbers = #tpu.dot_dimension_numbers<[1], [0], [0], [1], [0, 0, 1, 1], [], []>, transpose_lhs_hint = false} : vector<128x32xf32>, vector<32x16xf32>, vector<128x16xf32> -> vector<128x16xf32>
    %dot_general3A_426 = arith.constant dense<0.000000e+00> : vector<128x16xf32>
    %dot_general3A_427 = tpu.matmul %dot_general3A_398, %get3A_423, %dot_general3A_426 {dimension_numbers = #tpu.dot_dimension_numbers<[1], [0], [0], [1], [0, 0, 1, 1], [], []>, transpose_lhs_hint = false} : vector<128x32xf32>, vector<32x16xf32>, vector<128x16xf32> -> vector<128x16xf32>
    %dot_general3A_428 = arith.constant dense<0.000000e+00> : vector<128x16xf32>
    %dot_general3A_429 = tpu.matmul %dot_general3A_400, %get3A_423, %dot_general3A_428 {dimension_numbers = #tpu.dot_dimension_numbers<[1], [0], [0], [1], [0, 0, 1, 1], [], []>, transpose_lhs_hint = false} : vector<128x32xf32>, vector<32x16xf32>, vector<128x16xf32> -> vector<128x16xf32>
    %get3A_430 = arith.constant 0 : index
    %get3A_431 = arith.constant 0 : index
    %get3A_432 = vector.load %arg34[%get3A_430, %get3A_431] : memref<100x16xf32, #tpu.memory_space<vmem>>, vector<100x16xf32>
    %dot_general3A_433 = arith.constant dense<0.000000e+00> : vector<128x16xf32>
    %dot_general3A_434 = tpu.matmul %add3A_420, %get3A_432, %dot_general3A_433 {dimension_numbers = #tpu.dot_dimension_numbers<[1], [0], [0], [1], [0, 0, 1, 1], [], []>, transpose_lhs_hint = false} : vector<128x100xf32>, vector<100x16xf32>, vector<128x16xf32> -> vector<128x16xf32>
    %get3A_435 = arith.constant 0 : index
    %get3A_436 = arith.constant 0 : index
    %get3A_437 = vector.load %arg35[%get3A_435, %get3A_436] : memref<1x16xf32, #tpu.memory_space<vmem>>, vector<1x16xf32>
    %add3A_438 = vector.broadcast %get3A_437 : vector<1x16xf32> to vector<128x16xf32>
    %add3A_439 = arith.addf %dot_general3A_434, %add3A_438 : vector<128x16xf32>
    %abs3A_440 = math.absf %add3A_439 : vector<128x16xf32>
    %neg3A_441 = arith.constant 0.000000e+00 : f32
    %neg3A_442 = vector.broadcast %neg3A_441 : f32 to vector<128x16xf32>
    %neg3A_443 = arith.subf %neg3A_442, %abs3A_440 : vector<128x16xf32>
    %exp3A_444 = math.exp %neg3A_443 : vector<128x16xf32>
    %ge3A_445 = arith.constant 0.000000e+00 : f32
    %ge3A_446 = vector.broadcast %ge3A_445 : f32 to vector<128x16xf32>
    %ge3A_447 = arith.cmpf oge, %add3A_439, %ge3A_446 : vector<128x16xf32>
    %add3A_448 = arith.constant 1.000000e+00 : f32
    %add3A_449 = vector.broadcast %add3A_448 : f32 to vector<128x16xf32>
    %add3A_450 = arith.addf %add3A_449, %exp3A_444 : vector<128x16xf32>
    %div3A_451 = arith.constant 1.000000e+00 : f32
    %div3A_452 = vector.broadcast %div3A_451 : f32 to vector<128x16xf32>
    %div3A_453 = arith.divf %div3A_452, %add3A_450 : vector<128x16xf32>
    %add3A_454 = arith.constant 1.000000e+00 : f32
    %add3A_455 = vector.broadcast %add3A_454 : f32 to vector<128x16xf32>
    %add3A_456 = arith.addf %add3A_455, %exp3A_444 : vector<128x16xf32>
    %div3A_457 = arith.divf %exp3A_444, %add3A_456 : vector<128x16xf32>
    %select_n3A_458 = arith.select %ge3A_447, %div3A_453, %div3A_457 : vector<128x16xi1>, vector<128x16xf32>
    %mul3A_459 = arith.mulf %dot_general3A_425, %select_n3A_458 : vector<128x16xf32>
    %mul3A_460 = arith.mulf %dot_general3A_427, %select_n3A_458 : vector<128x16xf32>
    %mul3A_461 = arith.mulf %dot_general3A_429, %select_n3A_458 : vector<128x16xf32>
    %add3A_462 = arith.addf %div3A_294, %add3A_420 : vector<128x100xf32>
    %add3A_463 = arith.addf %mul3A_314, %mul3A_459 : vector<128x16xf32>
    %add3A_464 = arith.addf %mul3A_316, %mul3A_460 : vector<128x16xf32>
    %add3A_465 = arith.addf %mul3A_318, %mul3A_461 : vector<128x16xf32>
    %reduce_sum3A_466 = arith.constant dense<0.000000e+00> : vector<128xf32>
    %reduce_sum3A_467 = vector.multi_reduction <add>, %add3A_462, %reduce_sum3A_466 [1] : vector<128x100xf32> to vector<128xf32>
    %broadcast_in_dim3A_468 = vector.shape_cast %reduce_sum3A_467 : vector<128xf32> to vector<128x1xf32>
    %div3A_469 = arith.constant 1.000000e+02 : f32
    %div3A_470 = vector.broadcast %div3A_469 : f32 to vector<128x1xf32>
    %div3A_471 = arith.divf %broadcast_in_dim3A_468, %div3A_470 : vector<128x1xf32>
    %sub3A_472 = vector.broadcast %div3A_471 : vector<128x1xf32> to vector<128x100xf32>
    %sub3A_473 = arith.subf %add3A_462, %sub3A_472 : vector<128x100xf32>
    %sub3A_474 = vector.broadcast %div3A_471 : vector<128x1xf32> to vector<128x100xf32>
    %sub3A_475 = arith.subf %add3A_462, %sub3A_474 : vector<128x100xf32>
    %mul3A_476 = arith.mulf %sub3A_473, %sub3A_475 : vector<128x100xf32>
    %reduce_sum3A_477 = arith.constant dense<0.000000e+00> : vector<128xf32>
    %reduce_sum3A_478 = vector.multi_reduction <add>, %mul3A_476, %reduce_sum3A_477 [1] : vector<128x100xf32> to vector<128xf32>
    %broadcast_in_dim3A_479 = vector.shape_cast %reduce_sum3A_478 : vector<128xf32> to vector<128x1xf32>
    %div3A_480 = arith.constant 1.000000e+02 : f32
    %div3A_481 = vector.broadcast %div3A_480 : f32 to vector<128x1xf32>
    %div3A_482 = arith.divf %broadcast_in_dim3A_479, %div3A_481 : vector<128x1xf32>
    %sub3A_483 = vector.broadcast %div3A_471 : vector<128x1xf32> to vector<128x100xf32>
    %sub3A_484 = arith.subf %add3A_462, %sub3A_483 : vector<128x100xf32>
    %add3A_485 = arith.constant 9.99999974E-5 : f32
    %add3A_486 = vector.broadcast %add3A_485 : f32 to vector<128x1xf32>
    %add3A_487 = arith.addf %div3A_482, %add3A_486 : vector<128x1xf32>
    %sqrt3A_488 = math.sqrt %add3A_487 : vector<128x1xf32>
    %div3A_489 = vector.broadcast %sqrt3A_488 : vector<128x1xf32> to vector<128x100xf32>
    %div3A_490 = arith.divf %sub3A_484, %div3A_489 : vector<128x100xf32>
    %mul3A_491 = arith.mulf %add3A_463, %add3A_463 : vector<128x16xf32>
    %mul3A_492 = arith.mulf %add3A_464, %add3A_464 : vector<128x16xf32>
    %add3A_493 = arith.addf %mul3A_491, %mul3A_492 : vector<128x16xf32>
    %mul3A_494 = arith.mulf %add3A_465, %add3A_465 : vector<128x16xf32>
    %add3A_495 = arith.addf %add3A_493, %mul3A_494 : vector<128x16xf32>
    %reduce_sum3A_496 = arith.constant dense<0.000000e+00> : vector<128xf32>
    %reduce_sum3A_497 = vector.multi_reduction <add>, %add3A_495, %reduce_sum3A_496 [1] : vector<128x16xf32> to vector<128xf32>
    %broadcast_in_dim3A_498 = vector.shape_cast %reduce_sum3A_497 : vector<128xf32> to vector<128x1xf32>
    %div3A_499 = arith.constant 1.600000e+01 : f32
    %div3A_500 = vector.broadcast %div3A_499 : f32 to vector<128x1xf32>
    %div3A_501 = arith.divf %broadcast_in_dim3A_498, %div3A_500 : vector<128x1xf32>
    %add3A_502 = arith.constant 9.99999974E-5 : f32
    %add3A_503 = vector.broadcast %add3A_502 : f32 to vector<128x1xf32>
    %add3A_504 = arith.addf %div3A_501, %add3A_503 : vector<128x1xf32>
    %sqrt3A_505 = math.sqrt %add3A_504 : vector<128x1xf32>
    %div3A_506 = arith.constant 1.000000e+00 : f32
    %div3A_507 = vector.broadcast %div3A_506 : f32 to vector<128x1xf32>
    %div3A_508 = arith.divf %div3A_507, %sqrt3A_505 : vector<128x1xf32>
    %mul3A_509 = vector.broadcast %div3A_508 : vector<128x1xf32> to vector<128x16xf32>
    %mul3A_510 = arith.mulf %add3A_463, %mul3A_509 : vector<128x16xf32>
    %mul3A_511 = vector.broadcast %div3A_508 : vector<128x1xf32> to vector<128x16xf32>
    %mul3A_512 = arith.mulf %add3A_464, %mul3A_511 : vector<128x16xf32>
    %mul3A_513 = vector.broadcast %div3A_508 : vector<128x1xf32> to vector<128x16xf32>
    %mul3A_514 = arith.mulf %add3A_465, %mul3A_513 : vector<128x16xf32>
    %concatenate3A_515 = tpu.concatenate %div3A_490, %mul3A_510, %mul3A_512, %mul3A_514 in 1 : vector<128x100xf32>, vector<128x16xf32>, vector<128x16xf32>, vector<128x16xf32> -> vector<128x148xf32>
    %swap3A = arith.constant 0 : index
    %swap3A_516 = arith.constant 0 : index
    %swap3A_517 = arith.constant 0 : index
    %swap3A_518 = vector.load %arg36[%swap3A, %swap3A_516, %swap3A_517] : memref<1x128x148xf32, #tpu.memory_space<vmem>>, vector<1x128x148xf32>
    %swap3A_519 = vector.shape_cast %swap3A_518 : vector<1x128x148xf32> to vector<128x148xf32>
    %swap3A_520 = vector.shape_cast %concatenate3A_515 : vector<128x148xf32> to vector<1x128x148xf32>
    tpu.vector_store %arg36[%swap3A, %swap3A_516, %swap3A_517], %swap3A_520 {strides = array<i32>} : memref<1x128x148xf32, #tpu.memory_space<vmem>>, vector<1x128x148xf32>,
    return
  }
  func.func @transform_0(%arg0: i32, %arg1: i32) -> (i32, i32, i32, i32) {
    %c0_i32 = arith.constant 0 : i32
    %c0_i32_0 = arith.constant 0 : i32
    %c0_i32_1 = arith.constant 0 : i32
    return %arg0, %arg1, %c0_i32, %c0_i32_0 : i32, i32, i32, i32
  }
  func.func @transform_1(%arg0: i32, %arg1: i32) -> (i32, i32, i32) {
    %c0_i32 = arith.constant 0 : i32
    %c0_i32_0 = arith.constant 0 : i32
    %c0_i32_1 = arith.constant 0 : i32
    return %arg0, %c0_i32, %c0_i32_0 : i32, i32, i32
  }
  func.func @transform_2(%arg0: i32, %arg1: i32) -> (i32, i32, i32) {
    %c0_i32 = arith.constant 0 : i32
    %c0_i32_0 = arith.constant 0 : i32
    return %arg0, %arg1, %c0_i32 : i32, i32, i32
  }
  func.func @transform_3(%arg0: i32, %arg1: i32) -> (i32, i32, i32) {
    %c0_i32 = arith.constant 0 : i32
    %c0_i32_0 = arith.constant 0 : i32
    return %arg0, %arg1, %c0_i32 : i32, i32, i32
  }
  func.func @transform_4(%arg0: i32, %arg1: i32) -> (i32, i32) {
    %c0_i32 = arith.constant 0 : i32
    %c0_i32_0 = arith.constant 0 : i32
    %c0_i32_1 = arith.constant 0 : i32
    return %c0_i32, %c0_i32_0 : i32, i32
  }
  func.func @transform_5(%arg0: i32, %arg1: i32) -> (i32, i32) {
    %c0_i32 = arith.constant 0 : i32
    %c0_i32_0 = arith.constant 0 : i32
    %c0_i32_1 = arith.constant 0 : i32
    return %c0_i32, %c0_i32_0 : i32, i32
  }
  func.func @transform_6(%arg0: i32, %arg1: i32) -> (i32, i32) {
    %c0_i32 = arith.constant 0 : i32
    %c0_i32_0 = arith.constant 0 : i32
    %c0_i32_1 = arith.constant 0 : i32
    return %c0_i32, %c0_i32_0 : i32, i32
  }
  func.func @transform_7(%arg0: i32, %arg1: i32) -> (i32, i32) {
    %c0_i32 = arith.constant 0 : i32
    %c0_i32_0 = arith.constant 0 : i32
    %c0_i32_1 = arith.constant 0 : i32
    return %c0_i32, %c0_i32_0 : i32, i32
  }
  func.func @transform_8(%arg0: i32, %arg1: i32) -> (i32, i32) {
    %c0_i32 = arith.constant 0 : i32
    %c0_i32_0 = arith.constant 0 : i32
    %c0_i32_1 = arith.constant 0 : i32
    return %c0_i32, %c0_i32_0 : i32, i32
  }
  func.func @transform_9(%arg0: i32, %arg1: i32) -> (i32, i32) {
    %c0_i32 = arith.constant 0 : i32
    %c0_i32_0 = arith.constant 0 : i32
    %c0_i32_1 = arith.constant 0 : i32
    return %c0_i32, %c0_i32_0 : i32, i32
  }
  func.func @transform_10(%arg0: i32, %arg1: i32) -> (i32, i32) {
    %c0_i32 = arith.constant 0 : i32
    %c0_i32_0 = arith.constant 0 : i32
    %c0_i32_1 = arith.constant 0 : i32
    return %c0_i32, %c0_i32_0 : i32, i32
  }
  func.func @transform_11(%arg0: i32, %arg1: i32) -> (i32, i32) {
    %c0_i32 = arith.constant 0 : i32
    %c0_i32_0 = arith.constant 0 : i32
    %c0_i32_1 = arith.constant 0 : i32
    return %c0_i32, %c0_i32_0 : i32, i32
  }
  func.func @transform_12(%arg0: i32, %arg1: i32) -> (i32, i32) {
    %c0_i32 = arith.constant 0 : i32
    %c0_i32_0 = arith.constant 0 : i32
    %c0_i32_1 = arith.constant 0 : i32
    return %c0_i32, %c0_i32_0 : i32, i32
  }
  func.func @transform_13(%arg0: i32, %arg1: i32) -> (i32, i32) {
    %c0_i32 = arith.constant 0 : i32
    %c0_i32_0 = arith.constant 0 : i32
    %c0_i32_1 = arith.constant 0 : i32
    return %c0_i32, %c0_i32_0 : i32, i32
  }
  func.func @transform_14(%arg0: i32, %arg1: i32) -> (i32, i32) {
    %c0_i32 = arith.constant 0 : i32
    %c0_i32_0 = arith.constant 0 : i32
    %c0_i32_1 = arith.constant 0 : i32
    return %c0_i32, %c0_i32_0 : i32, i32
  }
  func.func @transform_15(%arg0: i32, %arg1: i32) -> (i32, i32) {
    %c0_i32 = arith.constant 0 : i32
    %c0_i32_0 = arith.constant 0 : i32
    %c0_i32_1 = arith.constant 0 : i32
    return %c0_i32, %c0_i32_0 : i32, i32
  }
  func.func @transform_16(%arg0: i32, %arg1: i32) -> (i32, i32) {
    %c0_i32 = arith.constant 0 : i32
    %c0_i32_0 = arith.constant 0 : i32
    %c0_i32_1 = arith.constant 0 : i32
    return %c0_i32, %c0_i32_0 : i32, i32
  }
  func.func @transform_17(%arg0: i32, %arg1: i32) -> (i32, i32) {
    %c0_i32 = arith.constant 0 : i32
    %c0_i32_0 = arith.constant 0 : i32
    %c0_i32_1 = arith.constant 0 : i32
    return %c0_i32, %c0_i32_0 : i32, i32
  }
  func.func @transform_18(%arg0: i32, %arg1: i32) -> (i32, i32) {
    %c0_i32 = arith.constant 0 : i32
    %c0_i32_0 = arith.constant 0 : i32
    %c0_i32_1 = arith.constant 0 : i32
    return %c0_i32, %c0_i32_0 : i32, i32
  }
  func.func @transform_19(%arg0: i32, %arg1: i32) -> (i32, i32) {
    %c0_i32 = arith.constant 0 : i32
    %c0_i32_0 = arith.constant 0 : i32
    %c0_i32_1 = arith.constant 0 : i32
    return %c0_i32, %c0_i32_0 : i32, i32
  }
  func.func @transform_20(%arg0: i32, %arg1: i32) -> (i32, i32) {
    %c0_i32 = arith.constant 0 : i32
    %c0_i32_0 = arith.constant 0 : i32
    %c0_i32_1 = arith.constant 0 : i32
    return %c0_i32, %c0_i32_0 : i32, i32
  }
  func.func @transform_21(%arg0: i32, %arg1: i32) -> (i32, i32) {
    %c0_i32 = arith.constant 0 : i32
    %c0_i32_0 = arith.constant 0 : i32
    %c0_i32_1 = arith.constant 0 : i32
    return %c0_i32, %c0_i32_0 : i32, i32
  }
  func.func @transform_22(%arg0: i32, %arg1: i32) -> (i32, i32) {
    %c0_i32 = arith.constant 0 : i32
    %c0_i32_0 = arith.constant 0 : i32
    %c0_i32_1 = arith.constant 0 : i32
    return %c0_i32, %c0_i32_0 : i32, i32
  }
  func.func @transform_23(%arg0: i32, %arg1: i32) -> (i32, i32) {
    %c0_i32 = arith.constant 0 : i32
    %c0_i32_0 = arith.constant 0 : i32
    %c0_i32_1 = arith.constant 0 : i32
    return %c0_i32, %c0_i32_0 : i32, i32
  }
  func.func @transform_24(%arg0: i32, %arg1: i32) -> (i32, i32) {
    %c0_i32 = arith.constant 0 : i32
    %c0_i32_0 = arith.constant 0 : i32
    %c0_i32_1 = arith.constant 0 : i32
    return %c0_i32, %c0_i32_0 : i32, i32
  }
  func.func @transform_25(%arg0: i32, %arg1: i32) -> (i32, i32) {
    %c0_i32 = arith.constant 0 : i32
    %c0_i32_0 = arith.constant 0 : i32
    %c0_i32_1 = arith.constant 0 : i32
    return %c0_i32, %c0_i32_0 : i32, i32
  }
  func.func @transform_26(%arg0: i32, %arg1: i32) -> (i32, i32) {
    %c0_i32 = arith.constant 0 : i32
    %c0_i32_0 = arith.constant 0 : i32
    %c0_i32_1 = arith.constant 0 : i32
    return %c0_i32, %c0_i32_0 : i32, i32
  }
  func.func @transform_27(%arg0: i32, %arg1: i32) -> (i32, i32) {
    %c0_i32 = arith.constant 0 : i32
    %c0_i32_0 = arith.constant 0 : i32
    %c0_i32_1 = arith.constant 0 : i32
    return %c0_i32, %c0_i32_0 : i32, i32
  }
  func.func @transform_28(%arg0: i32, %arg1: i32) -> (i32, i32) {
    %c0_i32 = arith.constant 0 : i32
    %c0_i32_0 = arith.constant 0 : i32
    %c0_i32_1 = arith.constant 0 : i32
    return %c0_i32, %c0_i32_0 : i32, i32
  }
  func.func @transform_29(%arg0: i32, %arg1: i32) -> (i32, i32) {
    %c0_i32 = arith.constant 0 : i32
    %c0_i32_0 = arith.constant 0 : i32
    %c0_i32_1 = arith.constant 0 : i32
    return %c0_i32, %c0_i32_0 : i32, i32
  }
  func.func @transform_30(%arg0: i32, %arg1: i32) -> (i32, i32) {
    %c0_i32 = arith.constant 0 : i32
    %c0_i32_0 = arith.constant 0 : i32
    %c0_i32_1 = arith.constant 0 : i32
    return %c0_i32, %c0_i32_0 : i32, i32
  }
  func.func @transform_31(%arg0: i32, %arg1: i32) -> (i32, i32) {
    %c0_i32 = arith.constant 0 : i32
    %c0_i32_0 = arith.constant 0 : i32
    %c0_i32_1 = arith.constant 0 : i32
    return %c0_i32, %c0_i32_0 : i32, i32
  }
  func.func @transform_32(%arg0: i32, %arg1: i32) -> (i32, i32) {
    %c0_i32 = arith.constant 0 : i32
    %c0_i32_0 = arith.constant 0 : i32
    %c0_i32_1 = arith.constant 0 : i32
    return %c0_i32, %c0_i32_0 : i32, i32
  }
  func.func @transform_33(%arg0: i32, %arg1: i32) -> (i32, i32) {
    %c0_i32 = arith.constant 0 : i32
    %c0_i32_0 = arith.constant 0 : i32
    %c0_i32_1 = arith.constant 0 : i32
    return %c0_i32, %c0_i32_0 : i32, i32
  }
  func.func @transform_34(%arg0: i32, %arg1: i32) -> (i32, i32, i32) {
    %c0_i32 = arith.constant 0 : i32
    %c0_i32_0 = arith.constant 0 : i32
    return %arg0, %arg1, %c0_i32 : i32, i32, i32
  }
}

</mosaic_0001>

<sc_bundles>
// kernel: sparse-core-data-format-call.cloned.1.call-start
scs
called_computation_lowered:
.L_overlay_start_0:
0x0: {  	s1 =	sld [smem:$0x3FD9]  }
0x1: {  	s2 =	sld [smem:$0x3FFE];
	_ =	sdelay $0x1  }
0x2: {  	s3 =	srdreg.scid  }
0x3: {  	s0 =	sand.u32 $0x1, s3  }
0x4: {  	s17 =	sshll.u32 s0, $0xA;
	s1 =	sadd.s32 s2, s1  }
0x5: {  	s1 =	sadd.s32 s1, s17  }
0x6: {  	[smem:$0x3F40] =	sst s1  }
0x7: {  	_ = 	snop  }
0x8: {  	(tm) =	ssettm $0x1  }
0x9: {  	s18 =	sld [smem:$0x3FFB];
	_ =	sdelay $0x3  }
0xa: {  	_ =	strace s18  }
0xb: {  	s1 =	sld [smem:$0x3FFC];
	_ =	sdelay $0x3  }
0xc: {  	_ =	strace s1  }
0xd: {  	s1 =	sld [smem:$0x3FFD];
	_ =	sdelay $0x3  }
0xe: {  	_ =	strace s1  }
0xf: {  	_ =	strace $0x8FFFFFFF  }
0x10: {  	s19 =	sld [smem:$0x3FDB];
	_ =	sdelay $0x1  }
0x11: {  	s20 =	simm.s32 $_scs_section_size  }
0x12: {  	s4 =	simm.s32 $_size__tile_overlayer_lowered;
	s5 =	simm.s32 $_tile_overlayer_lowered  }
0x13: {  	s23 =	simm.s32 $0x1BFF;
	s22 =	sshll.u32 s5, $0x1;
	s1 =	sadd.s32 s20, s19  }
0x14: {  	s6 =	simm.s32 $0x0;
	s21 =	sshll.u32 s4, $0x1;
	s4 =	sadd.s32 s22, s1  }
0x15: {  	[timem:s6], [sflag:s23] =	dma.local [hbm:s4], s21  }
0x16: {  	_ =	swait.ge [sflag:s23], s21  }
0x17: {  	s2 =	ssub.s32 $0x0, s21;
	[sflag:s23] =	ssyncset.done $0x0  }
0x18: {  	[sflag:s23] =	ssyncadd.s32 s2;
	_ =	sdelay $0x1  }
0x19: {  	s24 =	simm.s32 $0x1B8B  }
0x1a: {  	_ =	swait.ge [sflag:s24], $0x1  }
0x1b: {  	[sflag:s24] =	ssyncset.done $0x0  }
0x1c: {  	s26 =	simm.s32 $0x1B8E;
	s25 =	sld [smem:$0x3FFE];
	[sflag:s24] =	ssyncadd.s32 $0xFFFFFFFF  }
0x1d: {  	s27 =	simm.s32 $execute0_lowered;
	[smem:$0x3FD2] =	sst s26  }
0x1e: {  	s4 =	sshll.u32 s27, $0x1;
	_ =	strace $0x80000046;
	[dreg:$0x1] =	wrdreg $0xFFFFFFFF  }
0x1f: {  	s28 =	simm.s32 $_size_execute0_lowered;
	s1 =	sadd.s32 s1, s4;
	[dreg:$0x0] =	wrdreg $0x0  }
0x20: {  	s4 =	sshll.u32 s28, $0x1;
	[dreg:$0x2] =	wrdreg s1  }
0x21: {  	[dreg:$0x3] =	wrdreg s4  }
0x22: {  	[dreg:$0x4] =	wrdreg $0xC0  }
0x23: {  	_ =	task [dreg:s6], $0x5FFFF  }
0x24: {  	[dreg:$0x1] =	wrdreg $0xFFFFFFFF  }
0x25: {  	[dreg:$0x0] =	wrdreg $0x60  }
0x26: {  	[dreg:$0x2] =	wrdreg s25  }
0x27: {  	[dreg:$0x3] =	wrdreg $0x9  }
0x28: {  	_ =	task.clear_ibuf [dreg:s6], $0x4FFFF;
	_ =	strace $0x90000046  }
0x29: {  	s29 =	simm.s32 $0x9;
	_ =	strace $0x80000048  }
0x2a: {  	_ =	swait.ge [sflag:s29], $0x1  }
0x2b: {  	[sflag:s29] =	ssyncadd.s32 $0xFFFFFFFF  }
0x2c: {  	_ =	strace $0x90000048  }
0x2d: {  	_ =	sfence  }
0x2e: {  	s30 =	sld [smem:$0x0];
	_ =	sdelay $0x2  }
0x2f: {  	s31 =	sshll.u32 s3, $0xD;
	s3 =	sshrl.u32 s3, $0x2  }
0x30: {  	s2 =	sand.u32 $0x4000, s31;
	s1 =	sadd.s32 s3, s30  }
0x31: {  	s0 =	sor.u32 s2, s0;
	s1 =	sshll.u32 s1, $0x11  }
0x32: {  	s0 =	sor.u32 s1, s0  }
0x33: {  	s0 =	sadd.s32 $0x8F2B, s0  }
0x34: {  	[sflag:s0] =	ssyncadd.remote.s32 $0x1  }
0x35: {  	_ =	sfence.sel $0xFFFF  }
0x36: {  	[dreg:$0x0] =	wrdreg $0xFFFFFFFF;
	(pc) =	sbr.abs _section_cstart, $3  }
0x37: {  	[dreg:$0x1] =	wrdreg $0xFFFFFFFF  }
0x38: {  	_ =	task.clear_ibuf [dreg:s6], $0x2FFFF;
	_ =	strace $0x9FFFFFFF  }
0x39: {  	(tm) =	ssettm $0x7FFFFFFF  }
tec
execute0_lowered:
.L_overlay_start_1:
0x0: {  	(tag) =	ssettag $0x1  }
0x1: {  	s0 =	stileid.u32;
	s1 =	srdreg.scid  }
0x2: {  	s4 =	rddreg [dreg:$0x0];
	s7 =	simm.s32 $0x1;
	s31 =	simm.s32 $0x2  }
0x3: {  	s16 =	simm.s32 $0x0;
	s2 =	sshll.u32 s0, $0x4;
	s1 =	sshll.u32 s1, $0x8  }
0x4: {  	s9 =	simm.s32 $0x2000;
	s14 =	simm.s32 $0x0;
	s1 =	sor.u32 s2, s1  }
0x5: {  	s15 =	simm.s32 $0x0;
	s10 =	simm.s32 $0x0;
	s2 =	sand.u32 $0x180, s1  }
0x6: {  	s13 =	simm.s32 $0x0;
	s3 =	sadd.s32 $0xFC00, s4;
	s5 =	ssub.s32 $0x400, s2  }
0x7: {  	s4 =	sadd.s32 $0x10FC00, s4;
	s1 =	rddreg [dreg:$0x1];
	s6 =	sand.u32 $0x180, s5  }
.Ltmp0:
0x8: {  	_ =	strace $0x80000047;
	p0 =	sne.s32 s6, $0x0;
	(pc) =	sbr.rel .LBB1_1-.Ltmp0, $4  }
0x9: {  	s11 =	smov.u32 s2;
	s8 =	sshrl.u32 s5, $0x9;
	s7 =	simm.s32 @!p0 $0x0  }
0xa: {  	s5 =	sand.u32 $0x7, s0;
	s6 =	simm.s32 $0x1;
	s7 =	sadd.s32 s7, s8  }
0xb: {  	s12 =	smov.u32 s5;
	[sflag:s6] =	ssyncpa.u1 $0x0;
	s7 =	sshll.u32 s7, $0x3  }
0xc: {  	p0 =	por $0x0, $0x0;
	[sflag:s31] =	ssyncpa.u1 $0x0;
	s8 =	sor.u32 $0x1, s7  }
.LBB1_4:
0xd: {  	v5 =	vld [tilespmem:s20+$0xFFFFFFD0];
	[tilespmem:s19+$0x2040 ss:$0x81] =	vst.msk $0xffff, v1  }
0xe: {  	v58 =	vld [tilespmem:s20+$0xFFFFFFE0];
	[tilespmem:s19+$0x2850 ss:$0x81] =	vst.msk $0xffff, v2  }
0xf: {  	s21 =	sshra.s32 s21, $0x2;
	v59 =	vld [tilespmem:s20+$0xFFFFFFF0];
	[tilespmem:s19+$0x3060 ss:$0x81] =	vst.msk $0xffff, v3  }
0x10: {  	v60 =	vld [tilespmem:s20+$0x0];
	[tilespmem:s19+$0x0 ss:$0x81] =	vst.msk $0xffff, v0;
	s18 =	sadd.s32 s21, s18  }
0x11: {  	v61 =	vld [tilespmem:s20+$0x10];
	[tilespmem:s18+$0x3870 ss:$0x81] =	vst.msk $0xffff, v4  }
0x12: {  	v62 =	vld [tilespmem:s20+$0x20];
	s26 =	sshll.u32 s16, $0xA;
	s27 =	sshll.u32 s14, $0x3;
	[tilespmem:s18+$0x810 ss:$0x81] =	vst.msk $0xffff, v5  }
0x13: {  	v63 =	vld [tilespmem:s20+$0xFFFFFFC0];
	s29 =	sshll.u32 s16, $0x7;
	s30 =	sand.u32 $0x78, s14;
	s15 =	sshll.u32 s15, $0x11;
	[tilespmem:s18+$0x1020 ss:$0x81] =	vst.msk $0xffff, v58  }
0x14: {  	s19 =	sand.u32 $0xFE000, s26;
	s28 =	sand.u32 $0xFFC00, s27;
	s16 =	sand.u32 $0x380, s29;
	[tilespmem:s18+$0x1830 ss:$0x81] =	vst.msk $0xffff, v59  }
0x15: {  	s31 =	sand.u32 $0x7, s14;
	s19 =	sadd.s32 s28, s19;
	s16 =	sor.u32 s30, s16;
	[tilespmem:s18+$0x2040 ss:$0x81] =	vst.msk $0xffff, v60  }
0x16: {  	s15 =	sadd.s32 s4, s15;
	s19 =	sshrl.u32 s19, $0x3;
	s16 =	sshrl.u32 s16, $0x3;
	[tilespmem:s18+$0x2850 ss:$0x81] =	vst.msk $0xffff, v61  }
0x17: {  	s14 =	sshll.u32 s31, $0x12;
	s19 =	sand.u32 $0x1FF80, s19;
	s15 =	sadd.s32 s16, s15;
	[tilespmem:s18+$0x3060 ss:$0x81] =	vst.msk $0xffff, v62  }
0x18: {  	s14 =	sor.u32 $0x400, s14;
	[tilespmem:s18+$0x0 ss:$0x81] =	vst.msk $0xffff, v63;
	s15 =	sadd.s32 s19, s15  }
0x19: {  	[hbm4b:s15+s14] =	stream.strided.scatter [tilespmem:s17], [sflag:$0x2], $0x4000, s9, s14, $0x20;
	[tilespmem:$0x10100] =	vst v63  }
.LBB1_5:
0x1a: {  	s17 =	sadd.s32 $0x80, s10  }
0x1b: {  	s14 =	sadd.s32 $0x200, s11;
	s18 =	smov.u32 s11;
	p2 =	sgt.s32 s17, $0x3FF  }
0x1c: {  	s18 =	smov.u32 @p2 s14  }
0x1d: {  	s20 =	smov.u32 s12;
	s14 =	sadd.s32 $0x8, s12;
	p3 =	sgt.s32 s18, $0x3FF  }
0x1e: {  	s20 =	smov.u32 @p3 s14  }
0x1f: {  	s17 =	simm.s32 @p2 $0x0;
	p2 =	sgt.s32 s20, $0x7  }
0x20: {  	p1 =	slt.u32 s13, $0x2;
	s20 =	smov.u32 @p2 s5;
	p2 =	sne.s32 s13, s8  }
.Ltmp1:
0x21: {  	s19 =	simm.s32 @!p1 $0x2;
	(pc) =	sbr.rel @!p2 .LBB1_6-.Ltmp1, $4  }
0x22: {  	s16 =	smov.u32 s10;
	s15 =	smov.u32 s12;
	_ =	swait.ge @!p1 [sflag:s19], $0x4000  }
0x23: {  	p0 =	por !p0, !p0;
	[sflag:s19] =	ssyncset.done @!p1 $0x0;
	s10 =	smov.u32 s17  }
0x24: {  	s18 =	smov.u32 @p3 s2;
	s14 =	smov.u32 s11;
	[sflag:s19] =	ssyncadd.s32 @!p1 $0xFFFFC000  }
0x25: {  	s11 =	smov.u32 s18;
	s13 =	sadd.s32 $0x1, s13;
	s12 =	smov.u32 s20  }
.LBB1_1:
0x26: {  	p1 =	sge.u32 s13, s7  }
0x27: {  	s31 =	sadd.s32 $0xFFFFFFFF, s13;
	s17 =	sshll.u32 @!p1 s11, $0x7  }
0x28: {  	s18 =	sxor.u32 @!p1 $0xFFFFFFFF, s13;
	s19 =	sand.u32 @!p1 $0x78, s10;
	s20 =	sand.u32 @!p1 $0x380, s17  }
0x29: {  	s18 =	sshll.u32 @!p1 s18, $0xE;
	s19 =	sor.u32 @!p1 s19, s20;
	s20 =	sshll.u32 @!p1 s12, $0x11  }
0x2a: {  	s17 =	sand.u32 @!p1 $0x1FC00, s17;
	s19 =	sshrl.u32 @!p1 s19, $0x3;
	s20 =	sadd.s32 @!p1 s3, s20  }
0x2b: {  	s17 =	sadd.s32 @!p1 s10, s17;
	s19 =	sadd.s32 @!p1 s19, s20;
	s20 =	sand.u32 @!p1 $0x7, s10  }
0x2c: {  	s18 =	sand.u32 @!p1 $0x4000, s18;
	s17 =	sand.u32 @!p1 $0x1FF80, s17;
	s20 =	sshll.u32 @!p1 s20, $0x12  }
0x2d: {  	s17 =	sadd.s32 @!p1 s17, s19;
	s19 =	sor.u32 @!p1 $0x400, s20;
	s20 =	simm.s32 @!p1 $0x2000  }
0x2e: {  	[tilespmem:s18], [sflag:$0x1] =	stream.strided.gather @!p1 [hbm4b:s17+s19], $0x4000, s20, s19, $0x38;
	[tilespmem:$0x10100] =	vst v63  }
0x2f: {  	p1 =	sge.u32 s31, s7  }
.Ltmp2:
0x30: {  	_ = 	snop;
	(pc) =	sbr.rel @p1 .LBB1_5-.Ltmp2, $1  }
0x31: {  	_ =	sdelay $0x3  }
0x32: {  	s17 =	simm.s32 $0x1  }
0x33: {  	_ =	swait.ge [sflag:s6], $0x4000;
	s17 =	simm.s32 @!p0 $0x0  }
0x34: {  	[sflag:s6] =	ssyncset.done $0x0;
	s18 =	sshll.u32 s17, $0xE  }
0x35: {  	[sflag:s6] =	ssyncadd.s32 $0xFFFFC000;
	s20 =	sor.u32 $0x40, s18  }
0x36: {  	s17 =	smul.u32 $0x10200, s17;
	v0 =	vld [tilespmem:s20+$0x30]  }
0x37: {  	v3 =	vld [tilespmem:s20+$0xFFFFFFD0]  }
0x38: {  	s17 =	sshrl.u32 s17, $0x2;
	v4 =	vld [tilespmem:s20+$0xFFFFFFE0]  }
0x39: {  	v5 =	vld [tilespmem:s20+$0xFFFFFFF0];
	s18 =	sor.u32 $0x8000, s17  }
0x3a: {  	s31 =	sand.u32 $0x1, s13;
	v1 =	vld [tilespmem:s20+$0x0];
	s19 =	sadd.s32 $0x0, s18  }
0x3b: {  	v2 =	vld [tilespmem:s20+$0x10];
	s17 =	smul.u32 $0x10200, s31;
	[tilespmem:s19+$0x3870 ss:$0x81] =	vst.msk $0xffff, v0  }
0x3c: {  	[tilespmem:s19+$0x810 ss:$0x81] =	vst.msk $0xffff, v3;
	v3 =	vld [tilespmem:s20+$0x20]  }
0x3d: {  	s17 =	sshrl.u32 s17, $0x2;
	v0 =	vld [tilespmem:s20+$0xFFFFFFC0];
	[tilespmem:s19+$0x1020 ss:$0x81] =	vst.msk $0xffff, v4;
	s20 =	sadd.s32 $0x80, s20  }
0x3e: {  	s21 =	simm.s32 $0x4;
	s22 =	simm.s32 $0x8;
	s17 =	sor.u32 $0x8000, s17;
	[tilespmem:s19+$0x1830 ss:$0x81] =	vst.msk $0xffff, v5;
	v4 =	vld [tilespmem:s20+$0x30]  }
.LBB1_3:
0x3f: {  	p1 =	sne.s32 s22, $0x1FC;
	v5 =	vld [tilespmem:s20+$0xFFFFFFD0];
	[tilespmem:s19+$0x2040 ss:$0x81] =	vst.msk $0xffff, v1  }
0x40: {  	v6 =	vld [tilespmem:s20+$0xFFFFFFE0];
	[tilespmem:s19+$0x2850 ss:$0x81] =	vst.msk $0xffff, v2  }
0x41: {  	s23 =	sshra.s32 s21, $0x2;
	s21 =	smov.u32 s22;
	v7 =	vld [tilespmem:s20+$0xFFFFFFF0];
	[tilespmem:s19+$0x3060 ss:$0x81] =	vst.msk $0xffff, v3  }
.Ltmp3:
0x42: {  	v1 =	vld [tilespmem:s20+$0x0];
	[tilespmem:s19+$0x0 ss:$0x81] =	vst.msk $0xffff, v0;
	s19 =	sadd.s32 s23, s18;
	(pc) =	sbr.rel @p1 .LBB1_3-.Ltmp3, $4  }
0x43: {  	v2 =	vld [tilespmem:s20+$0x10];
	[tilespmem:s19+$0x3870 ss:$0x81] =	vst.msk $0xffff, v4  }
0x44: {  	[tilespmem:s19+$0x810 ss:$0x81] =	vst.msk $0xffff, v5;
	v3 =	vld [tilespmem:s20+$0x20]  }
0x45: {  	v0 =	vld [tilespmem:s20+$0xFFFFFFC0];
	[tilespmem:s19+$0x1020 ss:$0x81] =	vst.msk $0xffff, v6;
	s20 =	sadd.s32 $0x80, s20  }
0x46: {  	s22 =	sadd.s32 $0x4, s22;
	v4 =	vld [tilespmem:s20+$0x30];
	[tilespmem:s19+$0x1830 ss:$0x81] =	vst.msk $0xffff, v7  }
.Ltmp4:
0x47: {  	_ = 	snop;
	(pc) =	sbr.rel .LBB1_4-.Ltmp4, $1  }
0x48: {  	_ =	sdelay $0x3  }
.LBB1_6:
0x49: {  	_ =	sfence.sel $0x180000  }
0x4a: {  	s2 =	simm.s32 $0x1;
	[bflag:$0x0] =	sbarrier.arrive $0xFFFF  }
0x4b: {  	s31 =	simm.s32 $0x2;
	[sflag:s2] =	ssyncpa.u1 $0x1  }
0x4c: {  	[sflag:s31] =	ssyncpa.u1 $0x1  }
0x4d: {  	p0 =	sne.s32 s0, $0x0;
	_ =	strace $0x90000047  }
0x4e: {  	s0 =	sadd.s32 @!p0 $0x100000, s1;
	[bflag:$0x2] =	sbarrier.arrive $0xFFFF  }
0x4f: {  	[sflag:s0] =	ssyncadd.tile.s32 @!p0 $0x1;
	_ =	shalt  }
.Lfunc_end1:
_tile_overlayer_lowered:
.L_overlay_start_2:
0x50: {  	(tag) =	ssettag $0x2  }
0x51: {  	s0 =	rddreg [dreg:$0x0];
	s2 =	stileid.u32  }
0x52: {  	s1 =	rddreg [dreg:$0x1];
	p0 =	sne.s32 s2, $0x0  }
0x53: {  	s3 =	rddreg [dreg:$0x2];
	[bflag:$0x3] =	sbarrier.arrive $0xFFFF;
	s2 =	simm.s32 @!p0 $0x1C01  }
0x54: {  	[timem:s3], [sflag:s2] =	dma.local @!p0 [hbm:s0], s1  }
0x55: {  	s0 =	simm.s32 @!p0 $0x1  }
0x56: {  	_ =	swait.ge @!p0 [sflag:s0], s1  }
0x57: {  	s1 =	ssub.s32 @!p0 $0x0, s1;
	[sflag:s0] =	ssyncset.done @!p0 $0x0  }
0x58: {  	[sflag:s0] =	ssyncadd.s32 @!p0 s1  }
0x59: {  	[bflag:$0x3] =	sbarrier.arrive $0xFFFF  }
0x5a: {  	_ =	shalt  }

</sc_bundles>
